<compile_context>
chip_gen: v7x
topology: tpu7x:2x2x1
jax: 0.10.2.dev20260603
libtpu: 0.0.44.dev20260713+nightly
codegen_flags: <defaults>
</compile_context>

<pallas_src>
import functools

import jax
import jax.numpy as jnp
from jax import lax
from jax.experimental import pallas as pl
from jax.experimental.pallas import tpu as pltpu
from jax.experimental.pallas import tpu_sc as plsc

VOCAB = 1000000
EMBED_DIM = 32
BATCH = 16384
HIST_LEN = 50

NC = 2
NS = 16
NW = NC * NS

B_PER_W = BATCH // NW
CB = 8
N_CHUNKS = B_PER_W // CB


def _gather_kernel(idx_hbm, table_hbm, out_hbm,
                   idx_v, buf0, buf1, gs0, gs1, ws0, ws1):
    wid = lax.axis_index("s") * NC + lax.axis_index("c")
    b0 = wid * B_PER_W

    pltpu.sync_copy(idx_hbm.at[pl.ds(b0, B_PER_W)], idx_v)

    bufs = (buf0, buf1)
    gsems = (gs0, gs1)
    wsems = (ws0, ws1)

    def fire(g, b):
        for s in range(CB):
            pltpu.async_copy(
                table_hbm.at[idx_v.at[g * CB + s]],
                bufs[b].at[s],
                gsems[b],
            )

    def drain_gather(b):
        pltpu.make_async_copy(
            out_hbm.at[pl.ds(0, CB)], bufs[b], gsems[b]
        ).wait()

    def writeback(g, b):
        pltpu.async_copy(
            bufs[b], out_hbm.at[pl.ds(b0 + g * CB, CB)], wsems[b]
        )

    def drain_wb(b):
        pltpu.make_async_copy(
            bufs[b], out_hbm.at[pl.ds(0, CB)], wsems[b]
        ).wait()

    fire(0, 0)
    fire(1, 1)

    def pair_body(t, carry):
        g = 2 * t
        drain_gather(0)
        writeback(g, 0)
        drain_gather(1)
        writeback(g + 1, 1)

        @pl.when(g + 2 < N_CHUNKS)
        def _fire0():
            drain_wb(0)
            fire(g + 2, 0)

        @pl.when(g + 3 < N_CHUNKS)
        def _fire1():
            drain_wb(1)
            fire(g + 3, 1)

        return carry

    lax.fori_loop(0, N_CHUNKS // 2, pair_body, 0)
    drain_wb(0)
    drain_wb(1)


@jax.jit
def _embedding_gather(idx, table):
    mesh = plsc.VectorSubcoreMesh(core_axis_name="c", subcore_axis_name="s")
    f = functools.partial(
        pl.kernel,
        mesh=mesh,
        out_type=jax.ShapeDtypeStruct((BATCH, HIST_LEN, EMBED_DIM),
                                      jnp.float32),
        scratch_types=[
            pltpu.VMEM((B_PER_W, HIST_LEN), jnp.int32),
            pltpu.VMEM((CB, HIST_LEN, EMBED_DIM), jnp.float32),
            pltpu.VMEM((CB, HIST_LEN, EMBED_DIM), jnp.float32),
            pltpu.SemaphoreType.DMA,
            pltpu.SemaphoreType.DMA,
            pltpu.SemaphoreType.DMA,
            pltpu.SemaphoreType.DMA,
        ],
        compiler_params=pltpu.CompilerParams(use_tc_tiling_on_sc=False),
    )(_gather_kernel)
    return f(idx, table)


def kernel(input_, table_ids):
    return _embedding_gather(input_.astype(jnp.int32), table_ids)

# --- scband reference (transcript-rebuilt; emitter-appended) ---
"""Pipeline reference for scband-multi-embedding-3075196584440 (READ-ONLY COPY).

The authoritative reference and input builder live on the scoring server;
editing this copy changes nothing except your own understanding.
"""

import jax, jax.numpy as jnp
import numpy as np

VOCAB = 1000000
EMBED_DIM = 32
BATCH = 16384
HIST_LEN = 50

def setup_inputs(seed: int = 0) -> dict:
    key = jax.random.key(seed)
    k_idx, k_tab = jax.random.split(key)
    input_ = jax.random.randint(k_idx, (BATCH, HIST_LEN), 0, VOCAB, dtype=jnp.int64 if jax.config.jax_enable_x64 else jnp.int32)
    table_ids = jax.random.normal(k_tab, (VOCAB, EMBED_DIM), dtype=jnp.float32)
    return {"input_": input_, "table_ids": table_ids}

def reference(input_, table_ids):
    # MultiEmbedding.forward(input_, name='ids') -> getattr(self, 'ids')(input_)
    # nn.Embedding lookup == gather rows from the table
    return jnp.take(table_ids, input_, axis=0)

if __name__ == "__main__":
    import jax
    _d = setup_inputs()
    print(jax.jit(kernel)(*tuple(_d.values())))

</pallas_src>

<mosaic_0001>
#map = affine_map<(d0, d1) -> (0, 0)>
#map1 = affine_map<(d0, d1) -> (0, 0, 0)>
module attributes {stable_mosaic.version = 14 : i64} {
  func.func @_gather_kernel(%arg0: i32, %arg1: i32, %arg2: memref<16384x50xi32, #tpu.memory_space<hbm>>, %arg3: memref<1000000x32xf32, #tpu.memory_space<hbm>>, %arg4: memref<16384x50x32xf32, #tpu.memory_space<hbm>>, %arg5: memref<512x50xi32, #tpu.memory_space<vmem>>, %arg6: memref<8x50x32xf32, #tpu.memory_space<vmem>>, %arg7: memref<8x50x32xf32, #tpu.memory_space<vmem>>, %arg8: memref<!tpu.dma_semaphore, #tpu.memory_space<semaphore_mem>>, %arg9: memref<!tpu.dma_semaphore, #tpu.memory_space<semaphore_mem>>, %arg10: memref<!tpu.dma_semaphore, #tpu.memory_space<semaphore_mem>>, %arg11: memref<!tpu.dma_semaphore, #tpu.memory_space<semaphore_mem>>) attributes {dimension_semantics = [#tpu.dimension_semantics<core_parallel>, #tpu.dimension_semantics<subcore_parallel>], iteration_bounds = array<i64: 2, 16>, scalar_prefetch = 0 : i64, scratch_operands = 7 : i64, tpu.core_type = #tpu.core_type<sc_vector_subcore>, window_params = [{transform_indices = #map}, {transform_indices = #map}, {transform_indices = #map1}]} {
    %mul3A = arith.constant 2 : i32
    %mul3A_0 = arith.muli %arg1, %mul3A : i32
    %add3A = arith.addi %mul3A_0, %arg0 : i32
    %mul3A_1 = arith.constant 512 : i32
    %mul3A_2 = arith.muli %add3A, %mul3A_1 : i32
    "tpu.region"() ({
      %run_scoped3A = tpu.sem_alloc : memref<!tpu.dma_semaphore, #tpu.memory_space<semaphore_mem>>
      %dma_start3A_214 = arith.constant 0 : i32
      %dma_start3A_215 = tpu.memref_slice %arg2[%mul3A_2, %dma_start3A_214] : memref<16384x50xi32, #tpu.memory_space<hbm>> -> memref<512x50xi32, #tpu.memory_space<hbm>>
      %dma_start3A_216 = arith.constant 0 : i32
      %dma_start3A_217 = tpu.memref_slice %arg2[%mul3A_2, %dma_start3A_216] : memref<16384x50xi32, #tpu.memory_space<hbm>> -> memref<512x50xi32, #tpu.memory_space<hbm>>
      tpu.enqueue_dma source(%dma_start3A_217 : memref<512x50xi32, #tpu.memory_space<hbm>>) target(%arg5 : memref<512x50xi32, #tpu.memory_space<vmem>>) target_semaphore(%run_scoped3A : memref<!tpu.dma_semaphore, #tpu.memory_space<semaphore_mem>>)
      %dma_wait3A_218 = arith.constant 0 : i32
      %dma_wait3A_219 = tpu.memref_slice %arg2[%mul3A_2, %dma_wait3A_218] : memref<16384x50xi32, #tpu.memory_space<hbm>> -> memref<512x50xi32, #tpu.memory_space<hbm>>
      %dma_wait3A_220 = arith.constant 0 : i32
      %dma_wait3A_221 = tpu.memref_slice %arg2[%mul3A_2, %dma_wait3A_220] : memref<16384x50xi32, #tpu.memory_space<hbm>> -> memref<512x50xi32, #tpu.memory_space<hbm>>
      tpu.wait_dma2 semaphore(%run_scoped3A : memref<!tpu.dma_semaphore, #tpu.memory_space<semaphore_mem>>) src(%dma_wait3A_221 : memref<512x50xi32, #tpu.memory_space<hbm>>) dst(%arg5 : memref<512x50xi32, #tpu.memory_space<vmem>>)
      tpu.yield
    }) : () -> ()
    %dma_start3A = arith.constant 0 : i32
    %dma_start3A_3 = arith.constant 0 : i32
    %dma_start3A_4 = arith.constant 0 : i32
    %dma_start3A_5 = arith.constant 0 : i32
    %dma_start3A_6 = tpu.memref_slice %arg6[%dma_start3A_3, %dma_start3A_4, %dma_start3A_5] : memref<8x50x32xf32, #tpu.memory_space<vmem>> -> memref<1x50x32xf32, #tpu.memory_space<vmem>>
    %dma_start3A_7 = tpu.memref_squeeze %dma_start3A_6 : memref<1x50x32xf32, #tpu.memory_space<vmem>> -> memref<50x32xf32, #tpu.memory_space<vmem>>
    %dma_start3A_8 = arith.constant 0 : i32
    %dma_start3A_9 = tpu.memref_slice %arg5[%dma_start3A, %dma_start3A_8] : memref<512x50xi32, #tpu.memory_space<vmem>> -> memref<1x50xi32, #tpu.memory_space<vmem>>
    %dma_start3A_10 = tpu.memref_squeeze %dma_start3A_9 : memref<1x50xi32, #tpu.memory_space<vmem>> -> memref<50xi32, #tpu.memory_space<vmem>>
    %dma_start3A_11 = arith.constant 0 : i32
    %dma_start3A_12 = arith.constant 0 : i32
    %dma_start3A_13 = tpu.memref_slice %arg3[%dma_start3A_11, %dma_start3A_12] : memref<1000000x32xf32, #tpu.memory_space<hbm>> -> memref<1000000x32xf32, #tpu.memory_space<hbm>>
    tpu.enqueue_indirect_dma source(%dma_start3A_13 : memref<1000000x32xf32, #tpu.memory_space<hbm>>) target(%dma_start3A_7 : memref<50x32xf32, #tpu.memory_space<vmem>>) offsets(%dma_start3A_10 : memref<50xi32, #tpu.memory_space<vmem>>) semaphore(%arg8 : memref<!tpu.dma_semaphore, #tpu.memory_space<semaphore_mem>>)
    %dma_start3A_14 = arith.constant 1 : i32
    %dma_start3A_15 = arith.constant 1 : i32
    %dma_start3A_16 = arith.constant 0 : i32
    %dma_start3A_17 = arith.constant 0 : i32
    %dma_start3A_18 = tpu.memref_slice %arg6[%dma_start3A_15, %dma_start3A_16, %dma_start3A_17] : memref<8x50x32xf32, #tpu.memory_space<vmem>> -> memref<1x50x32xf32, #tpu.memory_space<vmem>>
    %dma_start3A_19 = tpu.memref_squeeze %dma_start3A_18 : memref<1x50x32xf32, #tpu.memory_space<vmem>> -> memref<50x32xf32, #tpu.memory_space<vmem>>
    %dma_start3A_20 = arith.constant 0 : i32
    %dma_start3A_21 = tpu.memref_slice %arg5[%dma_start3A_14, %dma_start3A_20] : memref<512x50xi32, #tpu.memory_space<vmem>> -> memref<1x50xi32, #tpu.memory_space<vmem>>
    %dma_start3A_22 = tpu.memref_squeeze %dma_start3A_21 : memref<1x50xi32, #tpu.memory_space<vmem>> -> memref<50xi32, #tpu.memory_space<vmem>>
    %dma_start3A_23 = arith.constant 0 : i32
    %dma_start3A_24 = arith.constant 0 : i32
    %dma_start3A_25 = tpu.memref_slice %arg3[%dma_start3A_23, %dma_start3A_24] : memref<1000000x32xf32, #tpu.memory_space<hbm>> -> memref<1000000x32xf32, #tpu.memory_space<hbm>>
    tpu.enqueue_indirect_dma source(%dma_start3A_25 : memref<1000000x32xf32, #tpu.memory_space<hbm>>) target(%dma_start3A_19 : memref<50x32xf32, #tpu.memory_space<vmem>>) offsets(%dma_start3A_22 : memref<50xi32, #tpu.memory_space<vmem>>) semaphore(%arg8 : memref<!tpu.dma_semaphore, #tpu.memory_space<semaphore_mem>>)
    %dma_start3A_26 = arith.constant 2 : i32
    %dma_start3A_27 = arith.constant 2 : i32
    %dma_start3A_28 = arith.constant 0 : i32
    %dma_start3A_29 = arith.constant 0 : i32
    %dma_start3A_30 = tpu.memref_slice %arg6[%dma_start3A_27, %dma_start3A_28, %dma_start3A_29] : memref<8x50x32xf32, #tpu.memory_space<vmem>> -> memref<1x50x32xf32, #tpu.memory_space<vmem>>
    %dma_start3A_31 = tpu.memref_squeeze %dma_start3A_30 : memref<1x50x32xf32, #tpu.memory_space<vmem>> -> memref<50x32xf32, #tpu.memory_space<vmem>>
    %dma_start3A_32 = arith.constant 0 : i32
    %dma_start3A_33 = tpu.memref_slice %arg5[%dma_start3A_26, %dma_start3A_32] : memref<512x50xi32, #tpu.memory_space<vmem>> -> memref<1x50xi32, #tpu.memory_space<vmem>>
    %dma_start3A_34 = tpu.memref_squeeze %dma_start3A_33 : memref<1x50xi32, #tpu.memory_space<vmem>> -> memref<50xi32, #tpu.memory_space<vmem>>
    %dma_start3A_35 = arith.constant 0 : i32
    %dma_start3A_36 = arith.constant 0 : i32
    %dma_start3A_37 = tpu.memref_slice %arg3[%dma_start3A_35, %dma_start3A_36] : memref<1000000x32xf32, #tpu.memory_space<hbm>> -> memref<1000000x32xf32, #tpu.memory_space<hbm>>
    tpu.enqueue_indirect_dma source(%dma_start3A_37 : memref<1000000x32xf32, #tpu.memory_space<hbm>>) target(%dma_start3A_31 : memref<50x32xf32, #tpu.memory_space<vmem>>) offsets(%dma_start3A_34 : memref<50xi32, #tpu.memory_space<vmem>>) semaphore(%arg8 : memref<!tpu.dma_semaphore, #tpu.memory_space<semaphore_mem>>)
    %dma_start3A_38 = arith.constant 3 : i32
    %dma_start3A_39 = arith.constant 3 : i32
    %dma_start3A_40 = arith.constant 0 : i32
    %dma_start3A_41 = arith.constant 0 : i32
    %dma_start3A_42 = tpu.memref_slice %arg6[%dma_start3A_39, %dma_start3A_40, %dma_start3A_41] : memref<8x50x32xf32, #tpu.memory_space<vmem>> -> memref<1x50x32xf32, #tpu.memory_space<vmem>>
    %dma_start3A_43 = tpu.memref_squeeze %dma_start3A_42 : memref<1x50x32xf32, #tpu.memory_space<vmem>> -> memref<50x32xf32, #tpu.memory_space<vmem>>
    %dma_start3A_44 = arith.constant 0 : i32
    %dma_start3A_45 = tpu.memref_slice %arg5[%dma_start3A_38, %dma_start3A_44] : memref<512x50xi32, #tpu.memory_space<vmem>> -> memref<1x50xi32, #tpu.memory_space<vmem>>
    %dma_start3A_46 = tpu.memref_squeeze %dma_start3A_45 : memref<1x50xi32, #tpu.memory_space<vmem>> -> memref<50xi32, #tpu.memory_space<vmem>>
    %dma_start3A_47 = arith.constant 0 : i32
    %dma_start3A_48 = arith.constant 0 : i32
    %dma_start3A_49 = tpu.memref_slice %arg3[%dma_start3A_47, %dma_start3A_48] : memref<1000000x32xf32, #tpu.memory_space<hbm>> -> memref<1000000x32xf32, #tpu.memory_space<hbm>>
    tpu.enqueue_indirect_dma source(%dma_start3A_49 : memref<1000000x32xf32, #tpu.memory_space<hbm>>) target(%dma_start3A_43 : memref<50x32xf32, #tpu.memory_space<vmem>>) offsets(%dma_start3A_46 : memref<50xi32, #tpu.memory_space<vmem>>) semaphore(%arg8 : memref<!tpu.dma_semaphore, #tpu.memory_space<semaphore_mem>>)
    %dma_start3A_50 = arith.constant 4 : i32
    %dma_start3A_51 = arith.constant 4 : i32
    %dma_start3A_52 = arith.constant 0 : i32
    %dma_start3A_53 = arith.constant 0 : i32
    %dma_start3A_54 = tpu.memref_slice %arg6[%dma_start3A_51, %dma_start3A_52, %dma_start3A_53] : memref<8x50x32xf32, #tpu.memory_space<vmem>> -> memref<1x50x32xf32, #tpu.memory_space<vmem>>
    %dma_start3A_55 = tpu.memref_squeeze %dma_start3A_54 : memref<1x50x32xf32, #tpu.memory_space<vmem>> -> memref<50x32xf32, #tpu.memory_space<vmem>>
    %dma_start3A_56 = arith.constant 0 : i32
    %dma_start3A_57 = tpu.memref_slice %arg5[%dma_start3A_50, %dma_start3A_56] : memref<512x50xi32, #tpu.memory_space<vmem>> -> memref<1x50xi32, #tpu.memory_space<vmem>>
    %dma_start3A_58 = tpu.memref_squeeze %dma_start3A_57 : memref<1x50xi32, #tpu.memory_space<vmem>> -> memref<50xi32, #tpu.memory_space<vmem>>
    %dma_start3A_59 = arith.constant 0 : i32
    %dma_start3A_60 = arith.constant 0 : i32
    %dma_start3A_61 = tpu.memref_slice %arg3[%dma_start3A_59, %dma_start3A_60] : memref<1000000x32xf32, #tpu.memory_space<hbm>> -> memref<1000000x32xf32, #tpu.memory_space<hbm>>
    tpu.enqueue_indirect_dma source(%dma_start3A_61 : memref<1000000x32xf32, #tpu.memory_space<hbm>>) target(%dma_start3A_55 : memref<50x32xf32, #tpu.memory_space<vmem>>) offsets(%dma_start3A_58 : memref<50xi32, #tpu.memory_space<vmem>>) semaphore(%arg8 : memref<!tpu.dma_semaphore, #tpu.memory_space<semaphore_mem>>)
    %dma_start3A_62 = arith.constant 5 : i32
    %dma_start3A_63 = arith.constant 5 : i32
    %dma_start3A_64 = arith.constant 0 : i32
    %dma_start3A_65 = arith.constant 0 : i32
    %dma_start3A_66 = tpu.memref_slice %arg6[%dma_start3A_63, %dma_start3A_64, %dma_start3A_65] : memref<8x50x32xf32, #tpu.memory_space<vmem>> -> memref<1x50x32xf32, #tpu.memory_space<vmem>>
    %dma_start3A_67 = tpu.memref_squeeze %dma_start3A_66 : memref<1x50x32xf32, #tpu.memory_space<vmem>> -> memref<50x32xf32, #tpu.memory_space<vmem>>
    %dma_start3A_68 = arith.constant 0 : i32
    %dma_start3A_69 = tpu.memref_slice %arg5[%dma_start3A_62, %dma_start3A_68] : memref<512x50xi32, #tpu.memory_space<vmem>> -> memref<1x50xi32, #tpu.memory_space<vmem>>
    %dma_start3A_70 = tpu.memref_squeeze %dma_start3A_69 : memref<1x50xi32, #tpu.memory_space<vmem>> -> memref<50xi32, #tpu.memory_space<vmem>>
    %dma_start3A_71 = arith.constant 0 : i32
    %dma_start3A_72 = arith.constant 0 : i32
    %dma_start3A_73 = tpu.memref_slice %arg3[%dma_start3A_71, %dma_start3A_72] : memref<1000000x32xf32, #tpu.memory_space<hbm>> -> memref<1000000x32xf32, #tpu.memory_space<hbm>>
    tpu.enqueue_indirect_dma source(%dma_start3A_73 : memref<1000000x32xf32, #tpu.memory_space<hbm>>) target(%dma_start3A_67 : memref<50x32xf32, #tpu.memory_space<vmem>>) offsets(%dma_start3A_70 : memref<50xi32, #tpu.memory_space<vmem>>) semaphore(%arg8 : memref<!tpu.dma_semaphore, #tpu.memory_space<semaphore_mem>>)
    %dma_start3A_74 = arith.constant 6 : i32
    %dma_start3A_75 = arith.constant 6 : i32
    %dma_start3A_76 = arith.constant 0 : i32
    %dma_start3A_77 = arith.constant 0 : i32
    %dma_start3A_78 = tpu.memref_slice %arg6[%dma_start3A_75, %dma_start3A_76, %dma_start3A_77] : memref<8x50x32xf32, #tpu.memory_space<vmem>> -> memref<1x50x32xf32, #tpu.memory_space<vmem>>
    %dma_start3A_79 = tpu.memref_squeeze %dma_start3A_78 : memref<1x50x32xf32, #tpu.memory_space<vmem>> -> memref<50x32xf32, #tpu.memory_space<vmem>>
    %dma_start3A_80 = arith.constant 0 : i32
    %dma_start3A_81 = tpu.memref_slice %arg5[%dma_start3A_74, %dma_start3A_80] : memref<512x50xi32, #tpu.memory_space<vmem>> -> memref<1x50xi32, #tpu.memory_space<vmem>>
    %dma_start3A_82 = tpu.memref_squeeze %dma_start3A_81 : memref<1x50xi32, #tpu.memory_space<vmem>> -> memref<50xi32, #tpu.memory_space<vmem>>
    %dma_start3A_83 = arith.constant 0 : i32
    %dma_start3A_84 = arith.constant 0 : i32
    %dma_start3A_85 = tpu.memref_slice %arg3[%dma_start3A_83, %dma_start3A_84] : memref<1000000x32xf32, #tpu.memory_space<hbm>> -> memref<1000000x32xf32, #tpu.memory_space<hbm>>
    tpu.enqueue_indirect_dma source(%dma_start3A_85 : memref<1000000x32xf32, #tpu.memory_space<hbm>>) target(%dma_start3A_79 : memref<50x32xf32, #tpu.memory_space<vmem>>) offsets(%dma_start3A_82 : memref<50xi32, #tpu.memory_space<vmem>>) semaphore(%arg8 : memref<!tpu.dma_semaphore, #tpu.memory_space<semaphore_mem>>)
    %dma_start3A_86 = arith.constant 7 : i32
    %dma_start3A_87 = arith.constant 7 : i32
    %dma_start3A_88 = arith.constant 0 : i32
    %dma_start3A_89 = arith.constant 0 : i32
    %dma_start3A_90 = tpu.memref_slice %arg6[%dma_start3A_87, %dma_start3A_88, %dma_start3A_89] : memref<8x50x32xf32, #tpu.memory_space<vmem>> -> memref<1x50x32xf32, #tpu.memory_space<vmem>>
    %dma_start3A_91 = tpu.memref_squeeze %dma_start3A_90 : memref<1x50x32xf32, #tpu.memory_space<vmem>> -> memref<50x32xf32, #tpu.memory_space<vmem>>
    %dma_start3A_92 = arith.constant 0 : i32
    %dma_start3A_93 = tpu.memref_slice %arg5[%dma_start3A_86, %dma_start3A_92] : memref<512x50xi32, #tpu.memory_space<vmem>> -> memref<1x50xi32, #tpu.memory_space<vmem>>
    %dma_start3A_94 = tpu.memref_squeeze %dma_start3A_93 : memref<1x50xi32, #tpu.memory_space<vmem>> -> memref<50xi32, #tpu.memory_space<vmem>>
    %dma_start3A_95 = arith.constant 0 : i32
    %dma_start3A_96 = arith.constant 0 : i32
    %dma_start3A_97 = tpu.memref_slice %arg3[%dma_start3A_95, %dma_start3A_96] : memref<1000000x32xf32, #tpu.memory_space<hbm>> -> memref<1000000x32xf32, #tpu.memory_space<hbm>>
    tpu.enqueue_indirect_dma source(%dma_start3A_97 : memref<1000000x32xf32, #tpu.memory_space<hbm>>) target(%dma_start3A_91 : memref<50x32xf32, #tpu.memory_space<vmem>>) offsets(%dma_start3A_94 : memref<50xi32, #tpu.memory_space<vmem>>) semaphore(%arg8 : memref<!tpu.dma_semaphore, #tpu.memory_space<semaphore_mem>>)
    %dma_start3A_98 = arith.constant 8 : i32
    %dma_start3A_99 = arith.constant 0 : i32
    %dma_start3A_100 = arith.constant 0 : i32
    %dma_start3A_101 = arith.constant 0 : i32
    %dma_start3A_102 = tpu.memref_slice %arg7[%dma_start3A_99, %dma_start3A_100, %dma_start3A_101] : memref<8x50x32xf32, #tpu.memory_space<vmem>> -> memref<1x50x32xf32, #tpu.memory_space<vmem>>
    %dma_start3A_103 = tpu.memref_squeeze %dma_start3A_102 : memref<1x50x32xf32, #tpu.memory_space<vmem>> -> memref<50x32xf32, #tpu.memory_space<vmem>>
    %dma_start3A_104 = arith.constant 0 : i32
    %dma_start3A_105 = tpu.memref_slice %arg5[%dma_start3A_98, %dma_start3A_104] : memref<512x50xi32, #tpu.memory_space<vmem>> -> memref<1x50xi32, #tpu.memory_space<vmem>>
    %dma_start3A_106 = tpu.memref_squeeze %dma_start3A_105 : memref<1x50xi32, #tpu.memory_space<vmem>> -> memref<50xi32, #tpu.memory_space<vmem>>
    %dma_start3A_107 = arith.constant 0 : i32
    %dma_start3A_108 = arith.constant 0 : i32
    %dma_start3A_109 = tpu.memref_slice %arg3[%dma_start3A_107, %dma_start3A_108] : memref<1000000x32xf32, #tpu.memory_space<hbm>> -> memref<1000000x32xf32, #tpu.memory_space<hbm>>
    tpu.enqueue_indirect_dma source(%dma_start3A_109 : memref<1000000x32xf32, #tpu.memory_space<hbm>>) target(%dma_start3A_103 : memref<50x32xf32, #tpu.memory_space<vmem>>) offsets(%dma_start3A_106 : memref<50xi32, #tpu.memory_space<vmem>>) semaphore(%arg9 : memref<!tpu.dma_semaphore, #tpu.memory_space<semaphore_mem>>)
    %dma_start3A_110 = arith.constant 9 : i32
    %dma_start3A_111 = arith.constant 1 : i32
    %dma_start3A_112 = arith.constant 0 : i32
    %dma_start3A_113 = arith.constant 0 : i32
    %dma_start3A_114 = tpu.memref_slice %arg7[%dma_start3A_111, %dma_start3A_112, %dma_start3A_113] : memref<8x50x32xf32, #tpu.memory_space<vmem>> -> memref<1x50x32xf32, #tpu.memory_space<vmem>>
    %dma_start3A_115 = tpu.memref_squeeze %dma_start3A_114 : memref<1x50x32xf32, #tpu.memory_space<vmem>> -> memref<50x32xf32, #tpu.memory_space<vmem>>
    %dma_start3A_116 = arith.constant 0 : i32
    %dma_start3A_117 = tpu.memref_slice %arg5[%dma_start3A_110, %dma_start3A_116] : memref<512x50xi32, #tpu.memory_space<vmem>> -> memref<1x50xi32, #tpu.memory_space<vmem>>
    %dma_start3A_118 = tpu.memref_squeeze %dma_start3A_117 : memref<1x50xi32, #tpu.memory_space<vmem>> -> memref<50xi32, #tpu.memory_space<vmem>>
    %dma_start3A_119 = arith.constant 0 : i32
    %dma_start3A_120 = arith.constant 0 : i32
    %dma_start3A_121 = tpu.memref_slice %arg3[%dma_start3A_119, %dma_start3A_120] : memref<1000000x32xf32, #tpu.memory_space<hbm>> -> memref<1000000x32xf32, #tpu.memory_space<hbm>>
    tpu.enqueue_indirect_dma source(%dma_start3A_121 : memref<1000000x32xf32, #tpu.memory_space<hbm>>) target(%dma_start3A_115 : memref<50x32xf32, #tpu.memory_space<vmem>>) offsets(%dma_start3A_118 : memref<50xi32, #tpu.memory_space<vmem>>) semaphore(%arg9 : memref<!tpu.dma_semaphore, #tpu.memory_space<semaphore_mem>>)
    %dma_start3A_122 = arith.constant 10 : i32
    %dma_start3A_123 = arith.constant 2 : i32
    %dma_start3A_124 = arith.constant 0 : i32
    %dma_start3A_125 = arith.constant 0 : i32
    %dma_start3A_126 = tpu.memref_slice %arg7[%dma_start3A_123, %dma_start3A_124, %dma_start3A_125] : memref<8x50x32xf32, #tpu.memory_space<vmem>> -> memref<1x50x32xf32, #tpu.memory_space<vmem>>
    %dma_start3A_127 = tpu.memref_squeeze %dma_start3A_126 : memref<1x50x32xf32, #tpu.memory_space<vmem>> -> memref<50x32xf32, #tpu.memory_space<vmem>>
    %dma_start3A_128 = arith.constant 0 : i32
    %dma_start3A_129 = tpu.memref_slice %arg5[%dma_start3A_122, %dma_start3A_128] : memref<512x50xi32, #tpu.memory_space<vmem>> -> memref<1x50xi32, #tpu.memory_space<vmem>>
    %dma_start3A_130 = tpu.memref_squeeze %dma_start3A_129 : memref<1x50xi32, #tpu.memory_space<vmem>> -> memref<50xi32, #tpu.memory_space<vmem>>
    %dma_start3A_131 = arith.constant 0 : i32
    %dma_start3A_132 = arith.constant 0 : i32
    %dma_start3A_133 = tpu.memref_slice %arg3[%dma_start3A_131, %dma_start3A_132] : memref<1000000x32xf32, #tpu.memory_space<hbm>> -> memref<1000000x32xf32, #tpu.memory_space<hbm>>
    tpu.enqueue_indirect_dma source(%dma_start3A_133 : memref<1000000x32xf32, #tpu.memory_space<hbm>>) target(%dma_start3A_127 : memref<50x32xf32, #tpu.memory_space<vmem>>) offsets(%dma_start3A_130 : memref<50xi32, #tpu.memory_space<vmem>>) semaphore(%arg9 : memref<!tpu.dma_semaphore, #tpu.memory_space<semaphore_mem>>)
    %dma_start3A_134 = arith.constant 11 : i32
    %dma_start3A_135 = arith.constant 3 : i32
    %dma_start3A_136 = arith.constant 0 : i32
    %dma_start3A_137 = arith.constant 0 : i32
    %dma_start3A_138 = tpu.memref_slice %arg7[%dma_start3A_135, %dma_start3A_136, %dma_start3A_137] : memref<8x50x32xf32, #tpu.memory_space<vmem>> -> memref<1x50x32xf32, #tpu.memory_space<vmem>>
    %dma_start3A_139 = tpu.memref_squeeze %dma_start3A_138 : memref<1x50x32xf32, #tpu.memory_space<vmem>> -> memref<50x32xf32, #tpu.memory_space<vmem>>
    %dma_start3A_140 = arith.constant 0 : i32
    %dma_start3A_141 = tpu.memref_slice %arg5[%dma_start3A_134, %dma_start3A_140] : memref<512x50xi32, #tpu.memory_space<vmem>> -> memref<1x50xi32, #tpu.memory_space<vmem>>
    %dma_start3A_142 = tpu.memref_squeeze %dma_start3A_141 : memref<1x50xi32, #tpu.memory_space<vmem>> -> memref<50xi32, #tpu.memory_space<vmem>>
    %dma_start3A_143 = arith.constant 0 : i32
    %dma_start3A_144 = arith.constant 0 : i32
    %dma_start3A_145 = tpu.memref_slice %arg3[%dma_start3A_143, %dma_start3A_144] : memref<1000000x32xf32, #tpu.memory_space<hbm>> -> memref<1000000x32xf32, #tpu.memory_space<hbm>>
    tpu.enqueue_indirect_dma source(%dma_start3A_145 : memref<1000000x32xf32, #tpu.memory_space<hbm>>) target(%dma_start3A_139 : memref<50x32xf32, #tpu.memory_space<vmem>>) offsets(%dma_start3A_142 : memref<50xi32, #tpu.memory_space<vmem>>) semaphore(%arg9 : memref<!tpu.dma_semaphore, #tpu.memory_space<semaphore_mem>>)
    %dma_start3A_146 = arith.constant 12 : i32
    %dma_start3A_147 = arith.constant 4 : i32
    %dma_start3A_148 = arith.constant 0 : i32
    %dma_start3A_149 = arith.constant 0 : i32
    %dma_start3A_150 = tpu.memref_slice %arg7[%dma_start3A_147, %dma_start3A_148, %dma_start3A_149] : memref<8x50x32xf32, #tpu.memory_space<vmem>> -> memref<1x50x32xf32, #tpu.memory_space<vmem>>
    %dma_start3A_151 = tpu.memref_squeeze %dma_start3A_150 : memref<1x50x32xf32, #tpu.memory_space<vmem>> -> memref<50x32xf32, #tpu.memory_space<vmem>>
    %dma_start3A_152 = arith.constant 0 : i32
    %dma_start3A_153 = tpu.memref_slice %arg5[%dma_start3A_146, %dma_start3A_152] : memref<512x50xi32, #tpu.memory_space<vmem>> -> memref<1x50xi32, #tpu.memory_space<vmem>>
    %dma_start3A_154 = tpu.memref_squeeze %dma_start3A_153 : memref<1x50xi32, #tpu.memory_space<vmem>> -> memref<50xi32, #tpu.memory_space<vmem>>
    %dma_start3A_155 = arith.constant 0 : i32
    %dma_start3A_156 = arith.constant 0 : i32
    %dma_start3A_157 = tpu.memref_slice %arg3[%dma_start3A_155, %dma_start3A_156] : memref<1000000x32xf32, #tpu.memory_space<hbm>> -> memref<1000000x32xf32, #tpu.memory_space<hbm>>
    tpu.enqueue_indirect_dma source(%dma_start3A_157 : memref<1000000x32xf32, #tpu.memory_space<hbm>>) target(%dma_start3A_151 : memref<50x32xf32, #tpu.memory_space<vmem>>) offsets(%dma_start3A_154 : memref<50xi32, #tpu.memory_space<vmem>>) semaphore(%arg9 : memref<!tpu.dma_semaphore, #tpu.memory_space<semaphore_mem>>)
    %dma_start3A_158 = arith.constant 13 : i32
    %dma_start3A_159 = arith.constant 5 : i32
    %dma_start3A_160 = arith.constant 0 : i32
    %dma_start3A_161 = arith.constant 0 : i32
    %dma_start3A_162 = tpu.memref_slice %arg7[%dma_start3A_159, %dma_start3A_160, %dma_start3A_161] : memref<8x50x32xf32, #tpu.memory_space<vmem>> -> memref<1x50x32xf32, #tpu.memory_space<vmem>>
    %dma_start3A_163 = tpu.memref_squeeze %dma_start3A_162 : memref<1x50x32xf32, #tpu.memory_space<vmem>> -> memref<50x32xf32, #tpu.memory_space<vmem>>
    %dma_start3A_164 = arith.constant 0 : i32
    %dma_start3A_165 = tpu.memref_slice %arg5[%dma_start3A_158, %dma_start3A_164] : memref<512x50xi32, #tpu.memory_space<vmem>> -> memref<1x50xi32, #tpu.memory_space<vmem>>
    %dma_start3A_166 = tpu.memref_squeeze %dma_start3A_165 : memref<1x50xi32, #tpu.memory_space<vmem>> -> memref<50xi32, #tpu.memory_space<vmem>>
    %dma_start3A_167 = arith.constant 0 : i32
    %dma_start3A_168 = arith.constant 0 : i32
    %dma_start3A_169 = tpu.memref_slice %arg3[%dma_start3A_167, %dma_start3A_168] : memref<1000000x32xf32, #tpu.memory_space<hbm>> -> memref<1000000x32xf32, #tpu.memory_space<hbm>>
    tpu.enqueue_indirect_dma source(%dma_start3A_169 : memref<1000000x32xf32, #tpu.memory_space<hbm>>) target(%dma_start3A_163 : memref<50x32xf32, #tpu.memory_space<vmem>>) offsets(%dma_start3A_166 : memref<50xi32, #tpu.memory_space<vmem>>) semaphore(%arg9 : memref<!tpu.dma_semaphore, #tpu.memory_space<semaphore_mem>>)
    %dma_start3A_170 = arith.constant 14 : i32
    %dma_start3A_171 = arith.constant 6 : i32
    %dma_start3A_172 = arith.constant 0 : i32
    %dma_start3A_173 = arith.constant 0 : i32
    %dma_start3A_174 = tpu.memref_slice %arg7[%dma_start3A_171, %dma_start3A_172, %dma_start3A_173] : memref<8x50x32xf32, #tpu.memory_space<vmem>> -> memref<1x50x32xf32, #tpu.memory_space<vmem>>
    %dma_start3A_175 = tpu.memref_squeeze %dma_start3A_174 : memref<1x50x32xf32, #tpu.memory_space<vmem>> -> memref<50x32xf32, #tpu.memory_space<vmem>>
    %dma_start3A_176 = arith.constant 0 : i32
    %dma_start3A_177 = tpu.memref_slice %arg5[%dma_start3A_170, %dma_start3A_176] : memref<512x50xi32, #tpu.memory_space<vmem>> -> memref<1x50xi32, #tpu.memory_space<vmem>>
    %dma_start3A_178 = tpu.memref_squeeze %dma_start3A_177 : memref<1x50xi32, #tpu.memory_space<vmem>> -> memref<50xi32, #tpu.memory_space<vmem>>
    %dma_start3A_179 = arith.constant 0 : i32
    %dma_start3A_180 = arith.constant 0 : i32
    %dma_start3A_181 = tpu.memref_slice %arg3[%dma_start3A_179, %dma_start3A_180] : memref<1000000x32xf32, #tpu.memory_space<hbm>> -> memref<1000000x32xf32, #tpu.memory_space<hbm>>
    tpu.enqueue_indirect_dma source(%dma_start3A_181 : memref<1000000x32xf32, #tpu.memory_space<hbm>>) target(%dma_start3A_175 : memref<50x32xf32, #tpu.memory_space<vmem>>) offsets(%dma_start3A_178 : memref<50xi32, #tpu.memory_space<vmem>>) semaphore(%arg9 : memref<!tpu.dma_semaphore, #tpu.memory_space<semaphore_mem>>)
    %dma_start3A_182 = arith.constant 15 : i32
    %dma_start3A_183 = arith.constant 7 : i32
    %dma_start3A_184 = arith.constant 0 : i32
    %dma_start3A_185 = arith.constant 0 : i32
    %dma_start3A_186 = tpu.memref_slice %arg7[%dma_start3A_183, %dma_start3A_184, %dma_start3A_185] : memref<8x50x32xf32, #tpu.memory_space<vmem>> -> memref<1x50x32xf32, #tpu.memory_space<vmem>>
    %dma_start3A_187 = tpu.memref_squeeze %dma_start3A_186 : memref<1x50x32xf32, #tpu.memory_space<vmem>> -> memref<50x32xf32, #tpu.memory_space<vmem>>
    %dma_start3A_188 = arith.constant 0 : i32
    %dma_start3A_189 = tpu.memref_slice %arg5[%dma_start3A_182, %dma_start3A_188] : memref<512x50xi32, #tpu.memory_space<vmem>> -> memref<1x50xi32, #tpu.memory_space<vmem>>
    %dma_start3A_190 = tpu.memref_squeeze %dma_start3A_189 : memref<1x50xi32, #tpu.memory_space<vmem>> -> memref<50xi32, #tpu.memory_space<vmem>>
    %dma_start3A_191 = arith.constant 0 : i32
    %dma_start3A_192 = arith.constant 0 : i32
    %dma_start3A_193 = tpu.memref_slice %arg3[%dma_start3A_191, %dma_start3A_192] : memref<1000000x32xf32, #tpu.memory_space<hbm>> -> memref<1000000x32xf32, #tpu.memory_space<hbm>>
    tpu.enqueue_indirect_dma source(%dma_start3A_193 : memref<1000000x32xf32, #tpu.memory_space<hbm>>) target(%dma_start3A_187 : memref<50x32xf32, #tpu.memory_space<vmem>>) offsets(%dma_start3A_190 : memref<50xi32, #tpu.memory_space<vmem>>) semaphore(%arg9 : memref<!tpu.dma_semaphore, #tpu.memory_space<semaphore_mem>>)
    %scan3A = arith.constant 0 : i32
    %scan3A_194 = arith.constant 0 : i32
    %scan3A_195 = arith.constant 32 : i32
    %scan3A_196 = arith.addi %scan3A_194, %scan3A_195 : i32
    %scan3A_197 = arith.constant 1 : i32
    scf.for %scan3A_214 = %scan3A_194 to %scan3A_196 step %scan3A_197  : i32 {
      %mul3A_215 = arith.constant 2 : i32
      %mul3A_216 = arith.muli %mul3A_215, %scan3A_214 : i32
      %dma_wait3A_217 = arith.constant 0 : i32
      %dma_wait3A_218 = arith.constant 0 : i32
      %dma_wait3A_219 = arith.constant 0 : i32
      %dma_wait3A_220 = tpu.memref_slice %arg4[%dma_wait3A_217, %dma_wait3A_218, %dma_wait3A_219] : memref<16384x50x32xf32, #tpu.memory_space<hbm>> -> memref<8x50x32xf32, #tpu.memory_space<hbm>>
      %dma_wait3A_221 = arith.constant 0 : i32
      %dma_wait3A_222 = arith.constant 0 : i32
      %dma_wait3A_223 = arith.constant 0 : i32
      %dma_wait3A_224 = tpu.memref_slice %arg4[%dma_wait3A_221, %dma_wait3A_222, %dma_wait3A_223] : memref<16384x50x32xf32, #tpu.memory_space<hbm>> -> memref<8x50x32xf32, #tpu.memory_space<hbm>>
      tpu.wait_dma2 semaphore(%arg8 : memref<!tpu.dma_semaphore, #tpu.memory_space<semaphore_mem>>) src(%dma_wait3A_224 : memref<8x50x32xf32, #tpu.memory_space<hbm>>) dst(%arg6 : memref<8x50x32xf32, #tpu.memory_space<vmem>>)
      %mul3A_225 = arith.constant 8 : i32
      %mul3A_226 = arith.muli %mul3A_216, %mul3A_225 : i32
      %add3A_227 = arith.addi %mul3A_2, %mul3A_226 : i32
      %dma_start3A_228 = arith.constant 0 : i32
      %dma_start3A_229 = arith.constant 0 : i32
      %dma_start3A_230 = tpu.memref_slice %arg4[%add3A_227, %dma_start3A_228, %dma_start3A_229] : memref<16384x50x32xf32, #tpu.memory_space<hbm>> -> memref<8x50x32xf32, #tpu.memory_space<hbm>>
      %dma_start3A_231 = arith.constant 0 : i32
      %dma_start3A_232 = arith.constant 0 : i32
      %dma_start3A_233 = tpu.memref_slice %arg4[%add3A_227, %dma_start3A_231, %dma_start3A_232] : memref<16384x50x32xf32, #tpu.memory_space<hbm>> -> memref<8x50x32xf32, #tpu.memory_space<hbm>>
      tpu.enqueue_dma source(%arg6 : memref<8x50x32xf32, #tpu.memory_space<vmem>>) target(%dma_start3A_233 : memref<8x50x32xf32, #tpu.memory_space<hbm>>) target_semaphore(%arg10 : memref<!tpu.dma_semaphore, #tpu.memory_space<semaphore_mem>>)
      %dma_wait3A_234 = arith.constant 0 : i32
      %dma_wait3A_235 = arith.constant 0 : i32
      %dma_wait3A_236 = arith.constant 0 : i32
      %dma_wait3A_237 = tpu.memref_slice %arg4[%dma_wait3A_234, %dma_wait3A_235, %dma_wait3A_236] : memref<16384x50x32xf32, #tpu.memory_space<hbm>> -> memref<8x50x32xf32, #tpu.memory_space<hbm>>
      %dma_wait3A_238 = arith.constant 0 : i32
      %dma_wait3A_239 = arith.constant 0 : i32
      %dma_wait3A_240 = arith.constant 0 : i32
      %dma_wait3A_241 = tpu.memref_slice %arg4[%dma_wait3A_238, %dma_wait3A_239, %dma_wait3A_240] : memref<16384x50x32xf32, #tpu.memory_space<hbm>> -> memref<8x50x32xf32, #tpu.memory_space<hbm>>
      tpu.wait_dma2 semaphore(%arg9 : memref<!tpu.dma_semaphore, #tpu.memory_space<semaphore_mem>>) src(%dma_wait3A_241 : memref<8x50x32xf32, #tpu.memory_space<hbm>>) dst(%arg7 : memref<8x50x32xf32, #tpu.memory_space<vmem>>)
      %add3A_242 = arith.constant 1 : i32
      %add3A_243 = arith.addi %mul3A_216, %add3A_242 : i32
      %mul3A_244 = arith.constant 8 : i32
      %mul3A_245 = arith.muli %add3A_243, %mul3A_244 : i32
      %add3A_246 = arith.addi %mul3A_2, %mul3A_245 : i32
      %dma_start3A_247 = arith.constant 0 : i32
      %dma_start3A_248 = arith.constant 0 : i32
      %dma_start3A_249 = tpu.memref_slice %arg4[%add3A_246, %dma_start3A_247, %dma_start3A_248] : memref<16384x50x32xf32, #tpu.memory_space<hbm>> -> memref<8x50x32xf32, #tpu.memory_space<hbm>>
      %dma_start3A_250 = arith.constant 0 : i32
      %dma_start3A_251 = arith.constant 0 : i32
      %dma_start3A_252 = tpu.memref_slice %arg4[%add3A_246, %dma_start3A_250, %dma_start3A_251] : memref<16384x50x32xf32, #tpu.memory_space<hbm>> -> memref<8x50x32xf32, #tpu.memory_space<hbm>>
      tpu.enqueue_dma source(%arg7 : memref<8x50x32xf32, #tpu.memory_space<vmem>>) target(%dma_start3A_252 : memref<8x50x32xf32, #tpu.memory_space<hbm>>) target_semaphore(%arg11 : memref<!tpu.dma_semaphore, #tpu.memory_space<semaphore_mem>>)
      %add3A_253 = arith.constant 2 : i32
      %add3A_254 = arith.addi %mul3A_216, %add3A_253 : i32
      %lt3A = arith.constant 64 : i32
      %lt3A_255 = arith.cmpi slt, %add3A_254, %lt3A : i32
      %convert_element_type3A = arith.extui %lt3A_255 : i1 to i32
      %cond3A = arith.constant 0 : i32
      %cond3A_256 = arith.cmpi ne, %convert_element_type3A, %cond3A : i32
      scf.if %cond3A_256 {
        %dma_wait3A_264 = arith.constant 0 : i32
        %dma_wait3A_265 = arith.constant 0 : i32
        %dma_wait3A_266 = arith.constant 0 : i32
        %dma_wait3A_267 = tpu.memref_slice %arg4[%dma_wait3A_264, %dma_wait3A_265, %dma_wait3A_266] : memref<16384x50x32xf32, #tpu.memory_space<hbm>> -> memref<8x50x32xf32, #tpu.memory_space<hbm>>
        %dma_wait3A_268 = arith.constant 0 : i32
        %dma_wait3A_269 = arith.constant 0 : i32
        %dma_wait3A_270 = arith.constant 0 : i32
        %dma_wait3A_271 = tpu.memref_slice %arg4[%dma_wait3A_268, %dma_wait3A_269, %dma_wait3A_270] : memref<16384x50x32xf32, #tpu.memory_space<hbm>> -> memref<8x50x32xf32, #tpu.memory_space<hbm>>
        tpu.wait_dma2 semaphore(%arg10 : memref<!tpu.dma_semaphore, #tpu.memory_space<semaphore_mem>>) src(%arg6 : memref<8x50x32xf32, #tpu.memory_space<vmem>>) dst(%dma_wait3A_271 : memref<8x50x32xf32, #tpu.memory_space<hbm>>)
        %add3A_272 = arith.constant 2 : i32
        %add3A_273 = arith.addi %mul3A_216, %add3A_272 : i32
        %mul3A_274 = arith.constant 8 : i32
        %mul3A_275 = arith.muli %add3A_273, %mul3A_274 : i32
        %add3A_276 = arith.constant 0 : i32
        %add3A_277 = arith.addi %mul3A_275, %add3A_276 : i32
        %dma_start3A_278 = arith.constant 0 : i32
        %dma_start3A_279 = arith.constant 0 : i32
        %dma_start3A_280 = arith.constant 0 : i32
        %dma_start3A_281 = tpu.memref_slice %arg6[%dma_start3A_278, %dma_start3A_279, %dma_start3A_280] : memref<8x50x32xf32, #tpu.memory_space<vmem>> -> memref<1x50x32xf32, #tpu.memory_space<vmem>>
        %dma_start3A_282 = tpu.memref_squeeze %dma_start3A_281 : memref<1x50x32xf32, #tpu.memory_space<vmem>> -> memref<50x32xf32, #tpu.memory_space<vmem>>
        %dma_start3A_283 = arith.constant 0 : i32
        %dma_start3A_284 = tpu.memref_slice %arg5[%add3A_277, %dma_start3A_283] : memref<512x50xi32, #tpu.memory_space<vmem>> -> memref<1x50xi32, #tpu.memory_space<vmem>>
        %dma_start3A_285 = tpu.memref_squeeze %dma_start3A_284 : memref<1x50xi32, #tpu.memory_space<vmem>> -> memref<50xi32, #tpu.memory_space<vmem>>
        %dma_start3A_286 = arith.constant 0 : i32
        %dma_start3A_287 = arith.constant 0 : i32
        %dma_start3A_288 = tpu.memref_slice %arg3[%dma_start3A_286, %dma_start3A_287] : memref<1000000x32xf32, #tpu.memory_space<hbm>> -> memref<1000000x32xf32, #tpu.memory_space<hbm>>
        tpu.enqueue_indirect_dma source(%dma_start3A_288 : memref<1000000x32xf32, #tpu.memory_space<hbm>>) target(%dma_start3A_282 : memref<50x32xf32, #tpu.memory_space<vmem>>) offsets(%dma_start3A_285 : memref<50xi32, #tpu.memory_space<vmem>>) semaphore(%arg8 : memref<!tpu.dma_semaphore, #tpu.memory_space<semaphore_mem>>)
        %mul3A_289 = arith.constant 8 : i32
        %mul3A_290 = arith.muli %add3A_273, %mul3A_289 : i32
        %add3A_291 = arith.constant 1 : i32
        %add3A_292 = arith.addi %mul3A_290, %add3A_291 : i32
        %dma_start3A_293 = arith.constant 1 : i32
        %dma_start3A_294 = arith.constant 0 : i32
        %dma_start3A_295 = arith.constant 0 : i32
        %dma_start3A_296 = tpu.memref_slice %arg6[%dma_start3A_293, %dma_start3A_294, %dma_start3A_295] : memref<8x50x32xf32, #tpu.memory_space<vmem>> -> memref<1x50x32xf32, #tpu.memory_space<vmem>>
        %dma_start3A_297 = tpu.memref_squeeze %dma_start3A_296 : memref<1x50x32xf32, #tpu.memory_space<vmem>> -> memref<50x32xf32, #tpu.memory_space<vmem>>
        %dma_start3A_298 = arith.constant 0 : i32
        %dma_start3A_299 = tpu.memref_slice %arg5[%add3A_292, %dma_start3A_298] : memref<512x50xi32, #tpu.memory_space<vmem>> -> memref<1x50xi32, #tpu.memory_space<vmem>>
        %dma_start3A_300 = tpu.memref_squeeze %dma_start3A_299 : memref<1x50xi32, #tpu.memory_space<vmem>> -> memref<50xi32, #tpu.memory_space<vmem>>
        %dma_start3A_301 = arith.constant 0 : i32
        %dma_start3A_302 = arith.constant 0 : i32
        %dma_start3A_303 = tpu.memref_slice %arg3[%dma_start3A_301, %dma_start3A_302] : memref<1000000x32xf32, #tpu.memory_space<hbm>> -> memref<1000000x32xf32, #tpu.memory_space<hbm>>
        tpu.enqueue_indirect_dma source(%dma_start3A_303 : memref<1000000x32xf32, #tpu.memory_space<hbm>>) target(%dma_start3A_297 : memref<50x32xf32, #tpu.memory_space<vmem>>) offsets(%dma_start3A_300 : memref<50xi32, #tpu.memory_space<vmem>>) semaphore(%arg8 : memref<!tpu.dma_semaphore, #tpu.memory_space<semaphore_mem>>)
        %mul3A_304 = arith.constant 8 : i32
        %mul3A_305 = arith.muli %add3A_273, %mul3A_304 : i32
        %add3A_306 = arith.constant 2 : i32
        %add3A_307 = arith.addi %mul3A_305, %add3A_306 : i32
        %dma_start3A_308 = arith.constant 2 : i32
        %dma_start3A_309 = arith.constant 0 : i32
        %dma_start3A_310 = arith.constant 0 : i32
        %dma_start3A_311 = tpu.memref_slice %arg6[%dma_start3A_308, %dma_start3A_309, %dma_start3A_310] : memref<8x50x32xf32, #tpu.memory_space<vmem>> -> memref<1x50x32xf32, #tpu.memory_space<vmem>>
        %dma_start3A_312 = tpu.memref_squeeze %dma_start3A_311 : memref<1x50x32xf32, #tpu.memory_space<vmem>> -> memref<50x32xf32, #tpu.memory_space<vmem>>
        %dma_start3A_313 = arith.constant 0 : i32
        %dma_start3A_314 = tpu.memref_slice %arg5[%add3A_307, %dma_start3A_313] : memref<512x50xi32, #tpu.memory_space<vmem>> -> memref<1x50xi32, #tpu.memory_space<vmem>>
        %dma_start3A_315 = tpu.memref_squeeze %dma_start3A_314 : memref<1x50xi32, #tpu.memory_space<vmem>> -> memref<50xi32, #tpu.memory_space<vmem>>
        %dma_start3A_316 = arith.constant 0 : i32
        %dma_start3A_317 = arith.constant 0 : i32
        %dma_start3A_318 = tpu.memref_slice %arg3[%dma_start3A_316, %dma_start3A_317] : memref<1000000x32xf32, #tpu.memory_space<hbm>> -> memref<1000000x32xf32, #tpu.memory_space<hbm>>
        tpu.enqueue_indirect_dma source(%dma_start3A_318 : memref<1000000x32xf32, #tpu.memory_space<hbm>>) target(%dma_start3A_312 : memref<50x32xf32, #tpu.memory_space<vmem>>) offsets(%dma_start3A_315 : memref<50xi32, #tpu.memory_space<vmem>>) semaphore(%arg8 : memref<!tpu.dma_semaphore, #tpu.memory_space<semaphore_mem>>)
        %mul3A_319 = arith.constant 8 : i32
        %mul3A_320 = arith.muli %add3A_273, %mul3A_319 : i32
        %add3A_321 = arith.constant 3 : i32
        %add3A_322 = arith.addi %mul3A_320, %add3A_321 : i32
        %dma_start3A_323 = arith.constant 3 : i32
        %dma_start3A_324 = arith.constant 0 : i32
        %dma_start3A_325 = arith.constant 0 : i32
        %dma_start3A_326 = tpu.memref_slice %arg6[%dma_start3A_323, %dma_start3A_324, %dma_start3A_325] : memref<8x50x32xf32, #tpu.memory_space<vmem>> -> memref<1x50x32xf32, #tpu.memory_space<vmem>>
        %dma_start3A_327 = tpu.memref_squeeze %dma_start3A_326 : memref<1x50x32xf32, #tpu.memory_space<vmem>> -> memref<50x32xf32, #tpu.memory_space<vmem>>
        %dma_start3A_328 = arith.constant 0 : i32
        %dma_start3A_329 = tpu.memref_slice %arg5[%add3A_322, %dma_start3A_328] : memref<512x50xi32, #tpu.memory_space<vmem>> -> memref<1x50xi32, #tpu.memory_space<vmem>>
        %dma_start3A_330 = tpu.memref_squeeze %dma_start3A_329 : memref<1x50xi32, #tpu.memory_space<vmem>> -> memref<50xi32, #tpu.memory_space<vmem>>
        %dma_start3A_331 = arith.constant 0 : i32
        %dma_start3A_332 = arith.constant 0 : i32
        %dma_start3A_333 = tpu.memref_slice %arg3[%dma_start3A_331, %dma_start3A_332] : memref<1000000x32xf32, #tpu.memory_space<hbm>> -> memref<1000000x32xf32, #tpu.memory_space<hbm>>
        tpu.enqueue_indirect_dma source(%dma_start3A_333 : memref<1000000x32xf32, #tpu.memory_space<hbm>>) target(%dma_start3A_327 : memref<50x32xf32, #tpu.memory_space<vmem>>) offsets(%dma_start3A_330 : memref<50xi32, #tpu.memory_space<vmem>>) semaphore(%arg8 : memref<!tpu.dma_semaphore, #tpu.memory_space<semaphore_mem>>)
        %mul3A_334 = arith.constant 8 : i32
        %mul3A_335 = arith.muli %add3A_273, %mul3A_334 : i32
        %add3A_336 = arith.constant 4 : i32
        %add3A_337 = arith.addi %mul3A_335, %add3A_336 : i32
        %dma_start3A_338 = arith.constant 4 : i32
        %dma_start3A_339 = arith.constant 0 : i32
        %dma_start3A_340 = arith.constant 0 : i32
        %dma_start3A_341 = tpu.memref_slice %arg6[%dma_start3A_338, %dma_start3A_339, %dma_start3A_340] : memref<8x50x32xf32, #tpu.memory_space<vmem>> -> memref<1x50x32xf32, #tpu.memory_space<vmem>>
        %dma_start3A_342 = tpu.memref_squeeze %dma_start3A_341 : memref<1x50x32xf32, #tpu.memory_space<vmem>> -> memref<50x32xf32, #tpu.memory_space<vmem>>
        %dma_start3A_343 = arith.constant 0 : i32
        %dma_start3A_344 = tpu.memref_slice %arg5[%add3A_337, %dma_start3A_343] : memref<512x50xi32, #tpu.memory_space<vmem>> -> memref<1x50xi32, #tpu.memory_space<vmem>>
        %dma_start3A_345 = tpu.memref_squeeze %dma_start3A_344 : memref<1x50xi32, #tpu.memory_space<vmem>> -> memref<50xi32, #tpu.memory_space<vmem>>
        %dma_start3A_346 = arith.constant 0 : i32
        %dma_start3A_347 = arith.constant 0 : i32
        %dma_start3A_348 = tpu.memref_slice %arg3[%dma_start3A_346, %dma_start3A_347] : memref<1000000x32xf32, #tpu.memory_space<hbm>> -> memref<1000000x32xf32, #tpu.memory_space<hbm>>
        tpu.enqueue_indirect_dma source(%dma_start3A_348 : memref<1000000x32xf32, #tpu.memory_space<hbm>>) target(%dma_start3A_342 : memref<50x32xf32, #tpu.memory_space<vmem>>) offsets(%dma_start3A_345 : memref<50xi32, #tpu.memory_space<vmem>>) semaphore(%arg8 : memref<!tpu.dma_semaphore, #tpu.memory_space<semaphore_mem>>)
        %mul3A_349 = arith.constant 8 : i32
        %mul3A_350 = arith.muli %add3A_273, %mul3A_349 : i32
        %add3A_351 = arith.constant 5 : i32
        %add3A_352 = arith.addi %mul3A_350, %add3A_351 : i32
        %dma_start3A_353 = arith.constant 5 : i32
        %dma_start3A_354 = arith.constant 0 : i32
        %dma_start3A_355 = arith.constant 0 : i32
        %dma_start3A_356 = tpu.memref_slice %arg6[%dma_start3A_353, %dma_start3A_354, %dma_start3A_355] : memref<8x50x32xf32, #tpu.memory_space<vmem>> -> memref<1x50x32xf32, #tpu.memory_space<vmem>>
        %dma_start3A_357 = tpu.memref_squeeze %dma_start3A_356 : memref<1x50x32xf32, #tpu.memory_space<vmem>> -> memref<50x32xf32, #tpu.memory_space<vmem>>
        %dma_start3A_358 = arith.constant 0 : i32
        %dma_start3A_359 = tpu.memref_slice %arg5[%add3A_352, %dma_start3A_358] : memref<512x50xi32, #tpu.memory_space<vmem>> -> memref<1x50xi32, #tpu.memory_space<vmem>>
        %dma_start3A_360 = tpu.memref_squeeze %dma_start3A_359 : memref<1x50xi32, #tpu.memory_space<vmem>> -> memref<50xi32, #tpu.memory_space<vmem>>
        %dma_start3A_361 = arith.constant 0 : i32
        %dma_start3A_362 = arith.constant 0 : i32
        %dma_start3A_363 = tpu.memref_slice %arg3[%dma_start3A_361, %dma_start3A_362] : memref<1000000x32xf32, #tpu.memory_space<hbm>> -> memref<1000000x32xf32, #tpu.memory_space<hbm>>
        tpu.enqueue_indirect_dma source(%dma_start3A_363 : memref<1000000x32xf32, #tpu.memory_space<hbm>>) target(%dma_start3A_357 : memref<50x32xf32, #tpu.memory_space<vmem>>) offsets(%dma_start3A_360 : memref<50xi32, #tpu.memory_space<vmem>>) semaphore(%arg8 : memref<!tpu.dma_semaphore, #tpu.memory_space<semaphore_mem>>)
        %mul3A_364 = arith.constant 8 : i32
        %mul3A_365 = arith.muli %add3A_273, %mul3A_364 : i32
        %add3A_366 = arith.constant 6 : i32
        %add3A_367 = arith.addi %mul3A_365, %add3A_366 : i32
        %dma_start3A_368 = arith.constant 6 : i32
        %dma_start3A_369 = arith.constant 0 : i32
        %dma_start3A_370 = arith.constant 0 : i32
        %dma_start3A_371 = tpu.memref_slice %arg6[%dma_start3A_368, %dma_start3A_369, %dma_start3A_370] : memref<8x50x32xf32, #tpu.memory_space<vmem>> -> memref<1x50x32xf32, #tpu.memory_space<vmem>>
        %dma_start3A_372 = tpu.memref_squeeze %dma_start3A_371 : memref<1x50x32xf32, #tpu.memory_space<vmem>> -> memref<50x32xf32, #tpu.memory_space<vmem>>
        %dma_start3A_373 = arith.constant 0 : i32
        %dma_start3A_374 = tpu.memref_slice %arg5[%add3A_367, %dma_start3A_373] : memref<512x50xi32, #tpu.memory_space<vmem>> -> memref<1x50xi32, #tpu.memory_space<vmem>>
        %dma_start3A_375 = tpu.memref_squeeze %dma_start3A_374 : memref<1x50xi32, #tpu.memory_space<vmem>> -> memref<50xi32, #tpu.memory_space<vmem>>
        %dma_start3A_376 = arith.constant 0 : i32
        %dma_start3A_377 = arith.constant 0 : i32
        %dma_start3A_378 = tpu.memref_slice %arg3[%dma_start3A_376, %dma_start3A_377] : memref<1000000x32xf32, #tpu.memory_space<hbm>> -> memref<1000000x32xf32, #tpu.memory_space<hbm>>
        tpu.enqueue_indirect_dma source(%dma_start3A_378 : memref<1000000x32xf32, #tpu.memory_space<hbm>>) target(%dma_start3A_372 : memref<50x32xf32, #tpu.memory_space<vmem>>) offsets(%dma_start3A_375 : memref<50xi32, #tpu.memory_space<vmem>>) semaphore(%arg8 : memref<!tpu.dma_semaphore, #tpu.memory_space<semaphore_mem>>)
        %mul3A_379 = arith.constant 8 : i32
        %mul3A_380 = arith.muli %add3A_273, %mul3A_379 : i32
        %add3A_381 = arith.constant 7 : i32
        %add3A_382 = arith.addi %mul3A_380, %add3A_381 : i32
        %dma_start3A_383 = arith.constant 7 : i32
        %dma_start3A_384 = arith.constant 0 : i32
        %dma_start3A_385 = arith.constant 0 : i32
        %dma_start3A_386 = tpu.memref_slice %arg6[%dma_start3A_383, %dma_start3A_384, %dma_start3A_385] : memref<8x50x32xf32, #tpu.memory_space<vmem>> -> memref<1x50x32xf32, #tpu.memory_space<vmem>>
        %dma_start3A_387 = tpu.memref_squeeze %dma_start3A_386 : memref<1x50x32xf32, #tpu.memory_space<vmem>> -> memref<50x32xf32, #tpu.memory_space<vmem>>
        %dma_start3A_388 = arith.constant 0 : i32
        %dma_start3A_389 = tpu.memref_slice %arg5[%add3A_382, %dma_start3A_388] : memref<512x50xi32, #tpu.memory_space<vmem>> -> memref<1x50xi32, #tpu.memory_space<vmem>>
        %dma_start3A_390 = tpu.memref_squeeze %dma_start3A_389 : memref<1x50xi32, #tpu.memory_space<vmem>> -> memref<50xi32, #tpu.memory_space<vmem>>
        %dma_start3A_391 = arith.constant 0 : i32
        %dma_start3A_392 = arith.constant 0 : i32
        %dma_start3A_393 = tpu.memref_slice %arg3[%dma_start3A_391, %dma_start3A_392] : memref<1000000x32xf32, #tpu.memory_space<hbm>> -> memref<1000000x32xf32, #tpu.memory_space<hbm>>
        tpu.enqueue_indirect_dma source(%dma_start3A_393 : memref<1000000x32xf32, #tpu.memory_space<hbm>>) target(%dma_start3A_387 : memref<50x32xf32, #tpu.memory_space<vmem>>) offsets(%dma_start3A_390 : memref<50xi32, #tpu.memory_space<vmem>>) semaphore(%arg8 : memref<!tpu.dma_semaphore, #tpu.memory_space<semaphore_mem>>)
      } else {
      }
      %add3A_257 = arith.constant 3 : i32
      %add3A_258 = arith.addi %mul3A_216, %add3A_257 : i32
      %lt3A_259 = arith.constant 64 : i32
      %lt3A_260 = arith.cmpi slt, %add3A_258, %lt3A_259 : i32
      %convert_element_type3A_261 = arith.extui %lt3A_260 : i1 to i32
      %cond3A_262 = arith.constant 0 : i32
      %cond3A_263 = arith.cmpi ne, %convert_element_type3A_261, %cond3A_262 : i32
      scf.if %cond3A_263 {
        %dma_wait3A_264 = arith.constant 0 : i32
        %dma_wait3A_265 = arith.constant 0 : i32
        %dma_wait3A_266 = arith.constant 0 : i32
        %dma_wait3A_267 = tpu.memref_slice %arg4[%dma_wait3A_264, %dma_wait3A_265, %dma_wait3A_266] : memref<16384x50x32xf32, #tpu.memory_space<hbm>> -> memref<8x50x32xf32, #tpu.memory_space<hbm>>
        %dma_wait3A_268 = arith.constant 0 : i32
        %dma_wait3A_269 = arith.constant 0 : i32
        %dma_wait3A_270 = arith.constant 0 : i32
        %dma_wait3A_271 = tpu.memref_slice %arg4[%dma_wait3A_268, %dma_wait3A_269, %dma_wait3A_270] : memref<16384x50x32xf32, #tpu.memory_space<hbm>> -> memref<8x50x32xf32, #tpu.memory_space<hbm>>
        tpu.wait_dma2 semaphore(%arg11 : memref<!tpu.dma_semaphore, #tpu.memory_space<semaphore_mem>>) src(%arg7 : memref<8x50x32xf32, #tpu.memory_space<vmem>>) dst(%dma_wait3A_271 : memref<8x50x32xf32, #tpu.memory_space<hbm>>)
        %add3A_272 = arith.constant 3 : i32
        %add3A_273 = arith.addi %mul3A_216, %add3A_272 : i32
        %mul3A_274 = arith.constant 8 : i32
        %mul3A_275 = arith.muli %add3A_273, %mul3A_274 : i32
        %add3A_276 = arith.constant 0 : i32
        %add3A_277 = arith.addi %mul3A_275, %add3A_276 : i32
        %dma_start3A_278 = arith.constant 0 : i32
        %dma_start3A_279 = arith.constant 0 : i32
        %dma_start3A_280 = arith.constant 0 : i32
        %dma_start3A_281 = tpu.memref_slice %arg7[%dma_start3A_278, %dma_start3A_279, %dma_start3A_280] : memref<8x50x32xf32, #tpu.memory_space<vmem>> -> memref<1x50x32xf32, #tpu.memory_space<vmem>>
        %dma_start3A_282 = tpu.memref_squeeze %dma_start3A_281 : memref<1x50x32xf32, #tpu.memory_space<vmem>> -> memref<50x32xf32, #tpu.memory_space<vmem>>
        %dma_start3A_283 = arith.constant 0 : i32
        %dma_start3A_284 = tpu.memref_slice %arg5[%add3A_277, %dma_start3A_283] : memref<512x50xi32, #tpu.memory_space<vmem>> -> memref<1x50xi32, #tpu.memory_space<vmem>>
        %dma_start3A_285 = tpu.memref_squeeze %dma_start3A_284 : memref<1x50xi32, #tpu.memory_space<vmem>> -> memref<50xi32, #tpu.memory_space<vmem>>
        %dma_start3A_286 = arith.constant 0 : i32
        %dma_start3A_287 = arith.constant 0 : i32
        %dma_start3A_288 = tpu.memref_slice %arg3[%dma_start3A_286, %dma_start3A_287] : memref<1000000x32xf32, #tpu.memory_space<hbm>> -> memref<1000000x32xf32, #tpu.memory_space<hbm>>
        tpu.enqueue_indirect_dma source(%dma_start3A_288 : memref<1000000x32xf32, #tpu.memory_space<hbm>>) target(%dma_start3A_282 : memref<50x32xf32, #tpu.memory_space<vmem>>) offsets(%dma_start3A_285 : memref<50xi32, #tpu.memory_space<vmem>>) semaphore(%arg9 : memref<!tpu.dma_semaphore, #tpu.memory_space<semaphore_mem>>)
        %mul3A_289 = arith.constant 8 : i32
        %mul3A_290 = arith.muli %add3A_273, %mul3A_289 : i32
        %add3A_291 = arith.constant 1 : i32
        %add3A_292 = arith.addi %mul3A_290, %add3A_291 : i32
        %dma_start3A_293 = arith.constant 1 : i32
        %dma_start3A_294 = arith.constant 0 : i32
        %dma_start3A_295 = arith.constant 0 : i32
        %dma_start3A_296 = tpu.memref_slice %arg7[%dma_start3A_293, %dma_start3A_294, %dma_start3A_295] : memref<8x50x32xf32, #tpu.memory_space<vmem>> -> memref<1x50x32xf32, #tpu.memory_space<vmem>>
        %dma_start3A_297 = tpu.memref_squeeze %dma_start3A_296 : memref<1x50x32xf32, #tpu.memory_space<vmem>> -> memref<50x32xf32, #tpu.memory_space<vmem>>
        %dma_start3A_298 = arith.constant 0 : i32
        %dma_start3A_299 = tpu.memref_slice %arg5[%add3A_292, %dma_start3A_298] : memref<512x50xi32, #tpu.memory_space<vmem>> -> memref<1x50xi32, #tpu.memory_space<vmem>>
        %dma_start3A_300 = tpu.memref_squeeze %dma_start3A_299 : memref<1x50xi32, #tpu.memory_space<vmem>> -> memref<50xi32, #tpu.memory_space<vmem>>
        %dma_start3A_301 = arith.constant 0 : i32
        %dma_start3A_302 = arith.constant 0 : i32
        %dma_start3A_303 = tpu.memref_slice %arg3[%dma_start3A_301, %dma_start3A_302] : memref<1000000x32xf32, #tpu.memory_space<hbm>> -> memref<1000000x32xf32, #tpu.memory_space<hbm>>
        tpu.enqueue_indirect_dma source(%dma_start3A_303 : memref<1000000x32xf32, #tpu.memory_space<hbm>>) target(%dma_start3A_297 : memref<50x32xf32, #tpu.memory_space<vmem>>) offsets(%dma_start3A_300 : memref<50xi32, #tpu.memory_space<vmem>>) semaphore(%arg9 : memref<!tpu.dma_semaphore, #tpu.memory_space<semaphore_mem>>)
        %mul3A_304 = arith.constant 8 : i32
        %mul3A_305 = arith.muli %add3A_273, %mul3A_304 : i32
        %add3A_306 = arith.constant 2 : i32
        %add3A_307 = arith.addi %mul3A_305, %add3A_306 : i32
        %dma_start3A_308 = arith.constant 2 : i32
        %dma_start3A_309 = arith.constant 0 : i32
        %dma_start3A_310 = arith.constant 0 : i32
        %dma_start3A_311 = tpu.memref_slice %arg7[%dma_start3A_308, %dma_start3A_309, %dma_start3A_310] : memref<8x50x32xf32, #tpu.memory_space<vmem>> -> memref<1x50x32xf32, #tpu.memory_space<vmem>>
        %dma_start3A_312 = tpu.memref_squeeze %dma_start3A_311 : memref<1x50x32xf32, #tpu.memory_space<vmem>> -> memref<50x32xf32, #tpu.memory_space<vmem>>
        %dma_start3A_313 = arith.constant 0 : i32
        %dma_start3A_314 = tpu.memref_slice %arg5[%add3A_307, %dma_start3A_313] : memref<512x50xi32, #tpu.memory_space<vmem>> -> memref<1x50xi32, #tpu.memory_space<vmem>>
        %dma_start3A_315 = tpu.memref_squeeze %dma_start3A_314 : memref<1x50xi32, #tpu.memory_space<vmem>> -> memref<50xi32, #tpu.memory_space<vmem>>
        %dma_start3A_316 = arith.constant 0 : i32
        %dma_start3A_317 = arith.constant 0 : i32
        %dma_start3A_318 = tpu.memref_slice %arg3[%dma_start3A_316, %dma_start3A_317] : memref<1000000x32xf32, #tpu.memory_space<hbm>> -> memref<1000000x32xf32, #tpu.memory_space<hbm>>
        tpu.enqueue_indirect_dma source(%dma_start3A_318 : memref<1000000x32xf32, #tpu.memory_space<hbm>>) target(%dma_start3A_312 : memref<50x32xf32, #tpu.memory_space<vmem>>) offsets(%dma_start3A_315 : memref<50xi32, #tpu.memory_space<vmem>>) semaphore(%arg9 : memref<!tpu.dma_semaphore, #tpu.memory_space<semaphore_mem>>)
        %mul3A_319 = arith.constant 8 : i32
        %mul3A_320 = arith.muli %add3A_273, %mul3A_319 : i32
        %add3A_321 = arith.constant 3 : i32
        %add3A_322 = arith.addi %mul3A_320, %add3A_321 : i32
        %dma_start3A_323 = arith.constant 3 : i32
        %dma_start3A_324 = arith.constant 0 : i32
        %dma_start3A_325 = arith.constant 0 : i32
        %dma_start3A_326 = tpu.memref_slice %arg7[%dma_start3A_323, %dma_start3A_324, %dma_start3A_325] : memref<8x50x32xf32, #tpu.memory_space<vmem>> -> memref<1x50x32xf32, #tpu.memory_space<vmem>>
        %dma_start3A_327 = tpu.memref_squeeze %dma_start3A_326 : memref<1x50x32xf32, #tpu.memory_space<vmem>> -> memref<50x32xf32, #tpu.memory_space<vmem>>
        %dma_start3A_328 = arith.constant 0 : i32
        %dma_start3A_329 = tpu.memref_slice %arg5[%add3A_322, %dma_start3A_328] : memref<512x50xi32, #tpu.memory_space<vmem>> -> memref<1x50xi32, #tpu.memory_space<vmem>>
        %dma_start3A_330 = tpu.memref_squeeze %dma_start3A_329 : memref<1x50xi32, #tpu.memory_space<vmem>> -> memref<50xi32, #tpu.memory_space<vmem>>
        %dma_start3A_331 = arith.constant 0 : i32
        %dma_start3A_332 = arith.constant 0 : i32
        %dma_start3A_333 = tpu.memref_slice %arg3[%dma_start3A_331, %dma_start3A_332] : memref<1000000x32xf32, #tpu.memory_space<hbm>> -> memref<1000000x32xf32, #tpu.memory_space<hbm>>
        tpu.enqueue_indirect_dma source(%dma_start3A_333 : memref<1000000x32xf32, #tpu.memory_space<hbm>>) target(%dma_start3A_327 : memref<50x32xf32, #tpu.memory_space<vmem>>) offsets(%dma_start3A_330 : memref<50xi32, #tpu.memory_space<vmem>>) semaphore(%arg9 : memref<!tpu.dma_semaphore, #tpu.memory_space<semaphore_mem>>)
        %mul3A_334 = arith.constant 8 : i32
        %mul3A_335 = arith.muli %add3A_273, %mul3A_334 : i32
        %add3A_336 = arith.constant 4 : i32
        %add3A_337 = arith.addi %mul3A_335, %add3A_336 : i32
        %dma_start3A_338 = arith.constant 4 : i32
        %dma_start3A_339 = arith.constant 0 : i32
        %dma_start3A_340 = arith.constant 0 : i32
        %dma_start3A_341 = tpu.memref_slice %arg7[%dma_start3A_338, %dma_start3A_339, %dma_start3A_340] : memref<8x50x32xf32, #tpu.memory_space<vmem>> -> memref<1x50x32xf32, #tpu.memory_space<vmem>>
        %dma_start3A_342 = tpu.memref_squeeze %dma_start3A_341 : memref<1x50x32xf32, #tpu.memory_space<vmem>> -> memref<50x32xf32, #tpu.memory_space<vmem>>
        %dma_start3A_343 = arith.constant 0 : i32
        %dma_start3A_344 = tpu.memref_slice %arg5[%add3A_337, %dma_start3A_343] : memref<512x50xi32, #tpu.memory_space<vmem>> -> memref<1x50xi32, #tpu.memory_space<vmem>>
        %dma_start3A_345 = tpu.memref_squeeze %dma_start3A_344 : memref<1x50xi32, #tpu.memory_space<vmem>> -> memref<50xi32, #tpu.memory_space<vmem>>
        %dma_start3A_346 = arith.constant 0 : i32
        %dma_start3A_347 = arith.constant 0 : i32
        %dma_start3A_348 = tpu.memref_slice %arg3[%dma_start3A_346, %dma_start3A_347] : memref<1000000x32xf32, #tpu.memory_space<hbm>> -> memref<1000000x32xf32, #tpu.memory_space<hbm>>
        tpu.enqueue_indirect_dma source(%dma_start3A_348 : memref<1000000x32xf32, #tpu.memory_space<hbm>>) target(%dma_start3A_342 : memref<50x32xf32, #tpu.memory_space<vmem>>) offsets(%dma_start3A_345 : memref<50xi32, #tpu.memory_space<vmem>>) semaphore(%arg9 : memref<!tpu.dma_semaphore, #tpu.memory_space<semaphore_mem>>)
        %mul3A_349 = arith.constant 8 : i32
        %mul3A_350 = arith.muli %add3A_273, %mul3A_349 : i32
        %add3A_351 = arith.constant 5 : i32
        %add3A_352 = arith.addi %mul3A_350, %add3A_351 : i32
        %dma_start3A_353 = arith.constant 5 : i32
        %dma_start3A_354 = arith.constant 0 : i32
        %dma_start3A_355 = arith.constant 0 : i32
        %dma_start3A_356 = tpu.memref_slice %arg7[%dma_start3A_353, %dma_start3A_354, %dma_start3A_355] : memref<8x50x32xf32, #tpu.memory_space<vmem>> -> memref<1x50x32xf32, #tpu.memory_space<vmem>>
        %dma_start3A_357 = tpu.memref_squeeze %dma_start3A_356 : memref<1x50x32xf32, #tpu.memory_space<vmem>> -> memref<50x32xf32, #tpu.memory_space<vmem>>
        %dma_start3A_358 = arith.constant 0 : i32
        %dma_start3A_359 = tpu.memref_slice %arg5[%add3A_352, %dma_start3A_358] : memref<512x50xi32, #tpu.memory_space<vmem>> -> memref<1x50xi32, #tpu.memory_space<vmem>>
        %dma_start3A_360 = tpu.memref_squeeze %dma_start3A_359 : memref<1x50xi32, #tpu.memory_space<vmem>> -> memref<50xi32, #tpu.memory_space<vmem>>
        %dma_start3A_361 = arith.constant 0 : i32
        %dma_start3A_362 = arith.constant 0 : i32
        %dma_start3A_363 = tpu.memref_slice %arg3[%dma_start3A_361, %dma_start3A_362] : memref<1000000x32xf32, #tpu.memory_space<hbm>> -> memref<1000000x32xf32, #tpu.memory_space<hbm>>
        tpu.enqueue_indirect_dma source(%dma_start3A_363 : memref<1000000x32xf32, #tpu.memory_space<hbm>>) target(%dma_start3A_357 : memref<50x32xf32, #tpu.memory_space<vmem>>) offsets(%dma_start3A_360 : memref<50xi32, #tpu.memory_space<vmem>>) semaphore(%arg9 : memref<!tpu.dma_semaphore, #tpu.memory_space<semaphore_mem>>)
        %mul3A_364 = arith.constant 8 : i32
        %mul3A_365 = arith.muli %add3A_273, %mul3A_364 : i32
        %add3A_366 = arith.constant 6 : i32
        %add3A_367 = arith.addi %mul3A_365, %add3A_366 : i32
        %dma_start3A_368 = arith.constant 6 : i32
        %dma_start3A_369 = arith.constant 0 : i32
        %dma_start3A_370 = arith.constant 0 : i32
        %dma_start3A_371 = tpu.memref_slice %arg7[%dma_start3A_368, %dma_start3A_369, %dma_start3A_370] : memref<8x50x32xf32, #tpu.memory_space<vmem>> -> memref<1x50x32xf32, #tpu.memory_space<vmem>>
        %dma_start3A_372 = tpu.memref_squeeze %dma_start3A_371 : memref<1x50x32xf32, #tpu.memory_space<vmem>> -> memref<50x32xf32, #tpu.memory_space<vmem>>
        %dma_start3A_373 = arith.constant 0 : i32
        %dma_start3A_374 = tpu.memref_slice %arg5[%add3A_367, %dma_start3A_373] : memref<512x50xi32, #tpu.memory_space<vmem>> -> memref<1x50xi32, #tpu.memory_space<vmem>>
        %dma_start3A_375 = tpu.memref_squeeze %dma_start3A_374 : memref<1x50xi32, #tpu.memory_space<vmem>> -> memref<50xi32, #tpu.memory_space<vmem>>
        %dma_start3A_376 = arith.constant 0 : i32
        %dma_start3A_377 = arith.constant 0 : i32
        %dma_start3A_378 = tpu.memref_slice %arg3[%dma_start3A_376, %dma_start3A_377] : memref<1000000x32xf32, #tpu.memory_space<hbm>> -> memref<1000000x32xf32, #tpu.memory_space<hbm>>
        tpu.enqueue_indirect_dma source(%dma_start3A_378 : memref<1000000x32xf32, #tpu.memory_space<hbm>>) target(%dma_start3A_372 : memref<50x32xf32, #tpu.memory_space<vmem>>) offsets(%dma_start3A_375 : memref<50xi32, #tpu.memory_space<vmem>>) semaphore(%arg9 : memref<!tpu.dma_semaphore, #tpu.memory_space<semaphore_mem>>)
        %mul3A_379 = arith.constant 8 : i32
        %mul3A_380 = arith.muli %add3A_273, %mul3A_379 : i32
        %add3A_381 = arith.constant 7 : i32
        %add3A_382 = arith.addi %mul3A_380, %add3A_381 : i32
        %dma_start3A_383 = arith.constant 7 : i32
        %dma_start3A_384 = arith.constant 0 : i32
        %dma_start3A_385 = arith.constant 0 : i32
        %dma_start3A_386 = tpu.memref_slice %arg7[%dma_start3A_383, %dma_start3A_384, %dma_start3A_385] : memref<8x50x32xf32, #tpu.memory_space<vmem>> -> memref<1x50x32xf32, #tpu.memory_space<vmem>>
        %dma_start3A_387 = tpu.memref_squeeze %dma_start3A_386 : memref<1x50x32xf32, #tpu.memory_space<vmem>> -> memref<50x32xf32, #tpu.memory_space<vmem>>
        %dma_start3A_388 = arith.constant 0 : i32
        %dma_start3A_389 = tpu.memref_slice %arg5[%add3A_382, %dma_start3A_388] : memref<512x50xi32, #tpu.memory_space<vmem>> -> memref<1x50xi32, #tpu.memory_space<vmem>>
        %dma_start3A_390 = tpu.memref_squeeze %dma_start3A_389 : memref<1x50xi32, #tpu.memory_space<vmem>> -> memref<50xi32, #tpu.memory_space<vmem>>
        %dma_start3A_391 = arith.constant 0 : i32
        %dma_start3A_392 = arith.constant 0 : i32
        %dma_start3A_393 = tpu.memref_slice %arg3[%dma_start3A_391, %dma_start3A_392] : memref<1000000x32xf32, #tpu.memory_space<hbm>> -> memref<1000000x32xf32, #tpu.memory_space<hbm>>
        tpu.enqueue_indirect_dma source(%dma_start3A_393 : memref<1000000x32xf32, #tpu.memory_space<hbm>>) target(%dma_start3A_387 : memref<50x32xf32, #tpu.memory_space<vmem>>) offsets(%dma_start3A_390 : memref<50xi32, #tpu.memory_space<vmem>>) semaphore(%arg9 : memref<!tpu.dma_semaphore, #tpu.memory_space<semaphore_mem>>)
      } else {
      }
    }
    %scan3A_198 = arith.constant 32 : i32
    %dma_wait3A = arith.constant 0 : i32
    %dma_wait3A_199 = arith.constant 0 : i32
    %dma_wait3A_200 = arith.constant 0 : i32
    %dma_wait3A_201 = tpu.memref_slice %arg4[%dma_wait3A, %dma_wait3A_199, %dma_wait3A_200] : memref<16384x50x32xf32, #tpu.memory_space<hbm>> -> memref<8x50x32xf32, #tpu.memory_space<hbm>>
    %dma_wait3A_202 = arith.constant 0 : i32
    %dma_wait3A_203 = arith.constant 0 : i32
    %dma_wait3A_204 = arith.constant 0 : i32
    %dma_wait3A_205 = tpu.memref_slice %arg4[%dma_wait3A_202, %dma_wait3A_203, %dma_wait3A_204] : memref<16384x50x32xf32, #tpu.memory_space<hbm>> -> memref<8x50x32xf32, #tpu.memory_space<hbm>>
    tpu.wait_dma2 semaphore(%arg10 : memref<!tpu.dma_semaphore, #tpu.memory_space<semaphore_mem>>) src(%arg6 : memref<8x50x32xf32, #tpu.memory_space<vmem>>) dst(%dma_wait3A_205 : memref<8x50x32xf32, #tpu.memory_space<hbm>>)
    %dma_wait3A_206 = arith.constant 0 : i32
    %dma_wait3A_207 = arith.constant 0 : i32
    %dma_wait3A_208 = arith.constant 0 : i32
    %dma_wait3A_209 = tpu.memref_slice %arg4[%dma_wait3A_206, %dma_wait3A_207, %dma_wait3A_208] : memref<16384x50x32xf32, #tpu.memory_space<hbm>> -> memref<8x50x32xf32, #tpu.memory_space<hbm>>
    %dma_wait3A_210 = arith.constant 0 : i32
    %dma_wait3A_211 = arith.constant 0 : i32
    %dma_wait3A_212 = arith.constant 0 : i32
    %dma_wait3A_213 = tpu.memref_slice %arg4[%dma_wait3A_210, %dma_wait3A_211, %dma_wait3A_212] : memref<16384x50x32xf32, #tpu.memory_space<hbm>> -> memref<8x50x32xf32, #tpu.memory_space<hbm>>
    tpu.wait_dma2 semaphore(%arg11 : memref<!tpu.dma_semaphore, #tpu.memory_space<semaphore_mem>>) src(%arg7 : memref<8x50x32xf32, #tpu.memory_space<vmem>>) dst(%dma_wait3A_213 : memref<8x50x32xf32, #tpu.memory_space<hbm>>)
    return
  }
}

</mosaic_0001>

<sc_bundles>
// kernel: _embedding_gather.3.cloned.1.call-start
scs
__scs_entry_jumppad:
0x0: {  	(pc) =	sbr.rel $0x88, $3  }
0x1: {  	(tag) =	ssettag $0x0;
	lr =	simm.s32 $0x1  }
0x2: {  	[smem:$0x3F9F] =	sst lr;
	_ =	strace $0xD0000000  }
0x3: {  	_ = 	snop  }
0x4: {  	_ = 	snop  }
0x5: {  	_ = 	snop  }
0x6: {  	_ = 	snop  }
0x7: {  	_ = 	snop  }
__scs_overlays_trampoline_lowered:
0x8: {  	[smem:$0x3FAE] =	sst s0  }
0x9: {  	[smem:$0x3FAF] =	sst s1  }
0xa: {  	[smem:$0x3FB0] =	sst s2  }
0xb: {  	[smem:$0x3FB1] =	sst s3  }
0xc: {  	[smem:$0x3FB2] =	sst s4  }
0xd: {  	[smem:$0x3FB3] =	sst s5  }
0xe: {  	[smem:$0x3FB4] =	sst s6  }
0xf: {  	[smem:$0x3FB5] =	sst s7  }
0x10: {  	[smem:$0x3FB6] =	sst s8  }
0x11: {  	[smem:$0x3FB7] =	sst s9;
	s0 =	simm.s32 @!p0 $0x0  }
0x12: {  	s1 =	sld [smem:$0x3F9D];
	s0 =	simm.s32 @p0 $0x1  }
0x13: {  	[smem:$0x3FB8] =	sst s0;
	s0 =	simm.s32 @!p1 $0x0  }
0x14: {  	s2 =	sld [smem:$0x3F9C];
	s0 =	simm.s32 @p1 $0x1  }
0x15: {  	[smem:$0x3FB9] =	sst s0;
	s0 =	simm.s32 @!p2 $0x0  }
0x16: {  	s3 =	sld [smem:$0x3FDB];
	s0 =	simm.s32 @p2 $0x1  }
0x17: {  	s4 =	simm.s32 $0x1BF5;
	[smem:$0x3FBB] =	sst s0  }
0x18: {  	s0 =	sld [smem:$0x3F9E];
	_ =	swait.ge [sflag:s4], $0x0  }
0x19: {  	s7 =	sld [smem:$0x3F9F]  }
0x1a: {  	s8 =	sadd.s32 $0xFFFFE003, lr  }
0x1b: {  	s9 =	sadd.s32 $0xFFFFFEF7, lr;
	s5 =	simm.s32 $0xFFFFFFFF;
	p2 =	slt.u32 s8, $0xFFFFF086  }
0x1c: {  	p1 =	slt.u32 s9, $0xF7A;
	s5 =	simm.s32 @!p2 $0x0  }
0x1d: {  	s5 =	simm.s32 @p1 $0x1;
	p0 =	seq.s32 s7, s2  }
0x1e: {  	s7 =	smul.u32 @!p0 $0xF7A, s2;
	p2 =	seq.s32 @!p0 s5, $0x0  }
0x1f: {  	s9 =	smul.u32 $0xF7A, s1;
	s8 =	simm.s32 @!p0 $0x1BF5;
	p2 =	por !p2, p0  }
0x20: {  	[sflag:s8] =	ssyncset.s32 @!p0 $0xFFFFF086;
	s6 =	sadd.s32 @!p0 s3, s7;
	s7 =	simm.s32 @!p0 $0x108  }
0x21: {  	s3 =	sadd.s32 s3, s9;
	s6 =	sadd.s32 @!p0 $0x88, s6;
	s7 =	simm.s32 @p2 $0x1082  }
0x22: {  	[simem:s7], [sflag:s8] =	dma.local @!p0 [hbm:s6], $0xF7A  }
0x23: {  	s9 =	sor.u32 $0xD0000000, s2;
	s6 =	simm.s32 $0x108;
	_ =	swait.ge @!p0 [sflag:s8], $0x0  }
0x24: {  	s3 =	sadd.s32 $0x88, s3;
	s6 =	simm.s32 @!p1 $0x1082;
	[sflag:s4] =	ssyncset.s32 $0xFFFFF086  }
0x25: {  	[simem:s6], [sflag:s4] =	dma.local [hbm:s3], $0xF7A  }
0x26: {  	[smem:$0x3F9F] =	sst s1;
	(tag) =	ssettag s2;
	_ =	strace s9  }
0x27: {  	s1 =	sld [smem:$0x3FAF]  }
0x28: {  	s2 =	sld [smem:$0x3FB0]  }
0x29: {  	s4 =	sld [smem:$0x3FB2]  }
0x2a: {  	p0 =	seq.s32 s5, $0x0;
	s5 =	sld [smem:$0x3FB3]  }
0x2b: {  	s6 =	sld [smem:$0x3FB4]  }
0x2c: {  	s7 =	sld [smem:$0x3FB5]  }
0x2d: {  	s3 =	simm.s32 $0x108;
	s8 =	sld [smem:$0x3FB6]  }
0x2e: {  	s3 =	simm.s32 @!p0 $0x1082;
	s9 =	sld [smem:$0x3FB7]  }
0x2f: {  	lr =	sadd.s32 s0, s3;
	s0 =	sld [smem:$0x3FAE]  }
0x30: {  	s3 =	sld [smem:$0x3FB1]  }
0x31: {  	[smem:$0x3FBA] =	sst s10  }
0x32: {  	s10 =	sld [smem:$0x3FB8];
	_ =	sdelay $0x3  }
0x33: {  	p0 =	seq.s32 s10, $0x1;
	s10 =	sld [smem:$0x3FBA];
	_ =	sdelay $0x3  }
0x34: {  	[smem:$0x3FBA] =	sst s10  }
0x35: {  	s10 =	sld [smem:$0x3FB9];
	_ =	sdelay $0x3  }
0x36: {  	p1 =	seq.s32 s10, $0x1;
	s10 =	sld [smem:$0x3FBA];
	_ =	sdelay $0x3  }
0x37: {  	[smem:$0x3FBA] =	sst s10  }
0x38: {  	s10 =	sld [smem:$0x3FBB]  }
0x39: {  	_ = 	snop;
	(pc) =	sbr.ind lr, $3  }
0x3a: {  	_ = 	snop  }
0x3b: {  	_ = 	snop  }
0x3c: {  	p2 =	seq.s32 s10, $0x1;
	s10 =	sld [smem:$0x3FBA]  }
0x3d: {  	_ =	shalt  }
0x3e: {  	_ =	shalt  }
0x3f: {  	_ =	shalt  }
0x40: {  	_ =	shalt  }
0x41: {  	_ =	shalt  }
0x42: {  	_ =	shalt  }
0x43: {  	_ =	shalt  }
0x44: {  	_ =	shalt  }
0x45: {  	_ =	shalt  }
0x46: {  	_ =	shalt  }
0x47: {  	_ =	shalt  }
0x48: {  	_ =	shalt  }
0x49: {  	_ =	shalt  }
0x4a: {  	_ =	shalt  }
0x4b: {  	_ =	shalt  }
0x4c: {  	_ =	shalt  }
0x4d: {  	_ =	shalt  }
0x4e: {  	_ =	shalt  }
0x4f: {  	_ =	shalt  }
0x50: {  	_ =	shalt  }
0x51: {  	_ =	shalt  }
0x52: {  	_ =	shalt  }
0x53: {  	_ =	shalt  }
0x54: {  	_ =	shalt  }
0x55: {  	_ =	shalt  }
0x56: {  	_ =	shalt  }
0x57: {  	_ =	shalt  }
0x58: {  	_ =	shalt  }
0x59: {  	_ =	shalt  }
0x5a: {  	_ =	shalt  }
0x5b: {  	_ =	shalt  }
0x5c: {  	_ =	shalt  }
0x5d: {  	_ =	shalt  }
0x5e: {  	_ =	shalt  }
0x5f: {  	_ =	shalt  }
0x60: {  	_ =	shalt  }
0x61: {  	_ =	shalt  }
0x62: {  	_ =	shalt  }
0x63: {  	_ =	shalt  }
0x64: {  	_ =	shalt  }
0x65: {  	_ =	shalt  }
0x66: {  	_ =	shalt  }
0x67: {  	_ =	shalt  }
0x68: {  	_ =	shalt  }
0x69: {  	_ =	shalt  }
0x6a: {  	_ =	shalt  }
0x6b: {  	_ =	shalt  }
0x6c: {  	_ =	shalt  }
0x6d: {  	_ =	shalt  }
0x6e: {  	_ =	shalt  }
0x6f: {  	_ =	shalt  }
0x70: {  	_ =	shalt  }
0x71: {  	_ =	shalt  }
0x72: {  	_ =	shalt  }
0x73: {  	_ =	shalt  }
0x74: {  	_ =	shalt  }
0x75: {  	_ =	shalt  }
0x76: {  	_ =	shalt  }
0x77: {  	_ =	shalt  }
0x78: {  	_ =	shalt  }
0x79: {  	_ =	shalt  }
0x7a: {  	_ =	shalt  }
0x7b: {  	_ =	shalt  }
0x7c: {  	_ =	shalt  }
0x7d: {  	_ =	shalt  }
0x7e: {  	_ =	shalt  }
0x7f: {  	_ =	shalt  }
0x80: {  	_ =	shalt  }
0x81: {  	_ =	shalt  }
0x82: {  	_ =	shalt  }
0x83: {  	_ =	shalt  }
0x84: {  	_ =	shalt  }
0x85: {  	_ =	shalt  }
0x86: {  	_ =	shalt  }
0x87: {  	_ =	shalt  }
.Lfunc_end0:
.L_simem_size_0:
called_computation.1_lowered:
.L_overlay_start_0:
0x88: {  	s2 =	sld [smem:$0x3FD9]  }
0x89: {  	s3 =	sld [smem:$0x3FFE];
	_ =	sdelay $0x1  }
0x8a: {  	s1 =	srdreg.scid  }
0x8b: {  	s0 =	sand.u32 $0x1, s1  }
0x8c: {  	s17 =	sshll.u32 s0, $0xA;
	s2 =	sadd.s32 s3, s2  }
0x8d: {  	s2 =	sadd.s32 s2, s17  }
0x8e: {  	[smem:$0x3FC6] =	sst s2  }
0x8f: {  	_ = 	snop  }
0x90: {  	s2 =	sld [smem:$0x3FD0];
	(tm) =	ssettm $0x1  }
0x91: {  	s18 =	sld [smem:$0x3FFB];
	_ =	sdelay $0x3  }
0x92: {  	_ =	strace s18  }
0x93: {  	s3 =	sld [smem:$0x3FFC];
	_ =	sdelay $0x3  }
0x94: {  	_ =	strace s3  }
0x95: {  	s3 =	sld [smem:$0x3FFD];
	_ =	sdelay $0x3  }
0x96: {  	_ =	strace s3  }
0x97: {  	_ =	strace $0x8FFFFFFF  }
0x98: {  	s19 =	sld [smem:$0x3FDB];
	_ =	sdelay $0x1  }
0x99: {  	s4 =	simm.s32 $_scs_section_size  }
0x9a: {  	s5 =	simm.s32 $_size__tile_overlayer_lowered;
	s6 =	simm.s32 $_tile_overlayer_lowered  }
0x9b: {  	s22 =	simm.s32 $0x1BFF;
	s21 =	sshll.u32 s6, $0x1;
	s3 =	sadd.s32 s4, s19  }
0x9c: {  	s7 =	simm.s32 $0x0;
	s20 =	sshll.u32 s5, $0x1;
	s5 =	sadd.s32 s21, s3  }
0x9d: {  	[timem:s7], [sflag:s22] =	dma.local [hbm:s5], s20  }
0x9e: {  	_ =	swait.ge [sflag:s22], s20  }
0x9f: {  	s4 =	ssub.s32 $0x0, s20;
	[sflag:s22] =	ssyncset.done $0x0  }
0xa0: {  	[sflag:s22] =	ssyncadd.s32 s4;
	_ =	sdelay $0x1  }
0xa1: {  	s23 =	simm.s32 $0x1B8B  }
0xa2: {  	_ =	swait.ge [sflag:s23], $0x1  }
0xa3: {  	[sflag:s23] =	ssyncset.done $0x0  }
0xa4: {  	s25 =	simm.s32 $0x1B8E;
	s24 =	sld [smem:$0x3FFE];
	[sflag:s23] =	ssyncadd.s32 $0xFFFFFFFF  }
0xa5: {  	s26 =	simm.s32 $execute0_lowered;
	[smem:$0x3FD2] =	sst s25  }
0xa6: {  	s5 =	sshll.u32 s26, $0x1;
	_ =	strace $0x80000046;
	[dreg:$0x1] =	wrdreg $0xFFFFFFFF  }
0xa7: {  	s28 =	simm.s32 $_size_execute0_lowered;
	s3 =	sadd.s32 s3, s5;
	[dreg:$0x0] =	wrdreg $0x0  }
0xa8: {  	s5 =	sshll.u32 s28, $0x1;
	[dreg:$0x2] =	wrdreg s3  }
0xa9: {  	[dreg:$0x3] =	wrdreg s5  }
0xaa: {  	[dreg:$0x4] =	wrdreg $0xC0  }
0xab: {  	_ =	task [dreg:s7], $0x5FFFF  }
0xac: {  	[dreg:$0x1] =	wrdreg $0xFFFFFFFF  }
0xad: {  	[dreg:$0x0] =	wrdreg $0x60  }
0xae: {  	[dreg:$0x2] =	wrdreg s24  }
0xaf: {  	[dreg:$0x3] =	wrdreg s2  }
0xb0: {  	[dreg:$0x4] =	wrdreg $0x9  }
0xb1: {  	_ =	task.clear_ibuf [dreg:s7], $0x5FFFF;
	_ =	strace $0x90000046  }
0xb2: {  	s29 =	simm.s32 $0x9;
	_ =	strace $0x80000048  }
0xb3: {  	_ =	swait.ge [sflag:s29], $0x1  }
0xb4: {  	[sflag:s29] =	ssyncadd.s32 $0xFFFFFFFF  }
0xb5: {  	_ =	strace $0x90000048  }
0xb6: {  	_ =	sfence  }
0xb7: {  	s30 =	sld [smem:$0x0];
	_ =	sdelay $0x2  }
0xb8: {  	s31 =	sshll.u32 s1, $0xD;
	s1 =	sshrl.u32 s1, $0x2  }
0xb9: {  	s3 =	sand.u32 $0x4000, s31;
	s1 =	sadd.s32 s1, s30  }
0xba: {  	s0 =	sor.u32 s3, s0;
	s1 =	sshll.u32 s1, $0x11  }
0xbb: {  	s0 =	sor.u32 s1, s0  }
0xbc: {  	s0 =	sadd.s32 $0x8F2B, s0  }
0xbd: {  	[sflag:s0] =	ssyncadd.remote.s32 $0x1  }
0xbe: {  	_ =	sfence.sel $0xFFFF  }
0xbf: {  	[dreg:$0x0] =	wrdreg $0xFFFFFFFF;
	(pc) =	sbr.abs _section_cstart, $3  }
0xc0: {  	[dreg:$0x1] =	wrdreg $0xFFFFFFFF  }
0xc1: {  	_ =	task.clear_ibuf [dreg:s7], $0x2FFFF;
	_ =	strace $0x9FFFFFFF  }
0xc2: {  	(tm) =	ssettm $0x7FFFFFFF  }
0xc3: {  	_ =	shalt  }
tec
execute0_lowered:
.L_overlay_start_1:
0x0: {  	(tag) =	ssettag $0x1  }
0x1: {  	s0 =	srdreg.scid;
	s1 =	rddreg [dreg:$0x0]  }
0x2: {  	s8 =	stileid.u32;
	s4 =	rddreg [dreg:$0x1];
	s9 =	simm.s32 $0x5  }
0x3: {  	s10 =	simm.s32 $0x32;
	s11 =	simm.s32 $0x7000;
	s13 =	simm.s32 $0x7640  }
0x4: {  	s15 =	simm.s32 $0x7C80;
	s17 =	simm.s32 $0x82C0;
	s19 =	simm.s32 $0x8900  }
0x5: {  	s21 =	simm.s32 $0x8F40;
	s23 =	simm.s32 $0x9580;
	s28 =	simm.s32 $0xA200  }
0x6: {  	s30 =	simm.s32 $0xA840;
	s12 =	simm.s32 $0xB4C0;
	s16 =	simm.s32 $0xBB00  }
0x7: {  	s20 =	simm.s32 $0xC140;
	s29 =	simm.s32 $0xCDC0;
	s31 =	simm.s32 $0x1  }
0x8: {  	s14 =	simm.s32 $0x3;
	s18 =	simm.s32 $0x4;
	s22 =	simm.s32 $0x0  }
0x9: {  	s0 =	sand.u32 $0x1, s0;
	s2 =	sshll.u32 s8, $0xA;
	s8 =	smul.u32 $0x32000, s8  }
0xa: {  	s3 =	sshll.u32 s0, $0x9;
	s7 =	ssub.s32 $0x2, s0;
	s0 =	smul.u32 $0x19000, s0  }
0xb: {  	s5 =	sor.u32 s3, s2;
	s2 =	simm.s32 $0x0;
	s24 =	sshrl.u32 s7, $0x1  }
0xc: {  	s26 =	sadd.s32 s8, s4;
	s3 =	smul.u32 $0x7, s5;
	[smem:$0x7FF] =	sst s2  }
0xd: {  	s5 =	smul.u32 $0xC8, s5;
	s8 =	sadd.s32 s0, s26;
	s0 =	simm.s32 $0x2  }
0xe: {  	_ =	strace $0x80000047;
	s6 =	sadd.s32 s3, s1;
	s3 =	sadd.s32 $0xF42E00, s1  }
0xf: {  	s1 =	ssub.s32 s7, s24;
	s25 =	sadd.s32 s4, s5;
	s6 =	sadd.s32 $0xA00, s6  }
0x10: {  	s24 =	simm.s32 $0xC780;
	s1 =	smax.u32 s1, $0x1;
	[dreg:$0x3] =	wrdreg s6  }
0x11: {  	s5 =	sadd.s32 $0x18380, s25;
	s7 =	sadd.s32 $0x189C0, s25;
	[dreg:$0x4] =	wrdreg s1  }
0x12: {  	s25 =	simm.s32 $0x9BC0;
	[dreg:$0x5] =	wrdreg s5;
	s1 =	simm.s32 $0xAE80  }
.LBB2_1:
0x13: {  	s4 =	rddreg [dreg:$0x3]  }
0x14: {  	[tilespmem:s2], [sflag:$0x5] =	stream.linear.gather [hbm4b:s4+s2], $0x7000, $0x38;
	[tilespmem:$0xD400] =	vst v63  }
0x15: {  	_ =	swait.ge [sflag:s9], $0x7000  }
0x16: {  	[sflag:s9] =	ssyncset.done $0x0  }
0x17: {  	[sflag:s9] =	ssyncadd.s32 $0xFFFF9000  }
0x18: {  	[tilespmem:s11], [sflag:$0x1] =	stream.indirect.gather [hbm4b:s3+s10], $0x20, s2, s10, $0xb8;
	[tilespmem:$0xD400] =	vst v63  }
0x19: {  	s26 =	simm.s32 $0x38  }
0x1a: {  	[tilespmem:s13], [sflag:$0x1] =	stream.indirect.gather [hbm4b:s3+s10], $0x20, s26, s10, $0xb8;
	[tilespmem:$0xD400] =	vst v63  }
0x1b: {  	s5 =	simm.s32 $0x70  }
0x1c: {  	[tilespmem:s15], [sflag:$0x1] =	stream.indirect.gather [hbm4b:s3+s10], $0x20, s5, s10, $0xb8;
	[tilespmem:$0xD400] =	vst v63  }
0x1d: {  	s6 =	simm.s32 $0xA8  }
0x1e: {  	[tilespmem:s17], [sflag:$0x1] =	stream.indirect.gather [hbm4b:s3+s10], $0x20, s6, s10, $0xb8;
	[tilespmem:$0xD400] =	vst v63  }
0x1f: {  	s26 =	simm.s32 $0xE0  }
0x20: {  	[tilespmem:s19], [sflag:$0x1] =	stream.indirect.gather [hbm4b:s3+s10], $0x20, s26, s10, $0xb8;
	[tilespmem:$0xD400] =	vst v63  }
0x21: {  	s5 =	simm.s32 $0x118  }
0x22: {  	[tilespmem:s21], [sflag:$0x1] =	stream.indirect.gather [hbm4b:s3+s10], $0x20, s5, s10, $0xb8;
	[tilespmem:$0xD400] =	vst v63  }
0x23: {  	s6 =	simm.s32 $0x150  }
0x24: {  	[tilespmem:s23], [sflag:$0x1] =	stream.indirect.gather [hbm4b:s3+s10], $0x20, s6, s10, $0xb8;
	[tilespmem:$0xD400] =	vst v63  }
0x25: {  	s26 =	simm.s32 $0x188  }
0x26: {  	[tilespmem:s25], [sflag:$0x1] =	stream.indirect.gather [hbm4b:s3+s10], $0x20, s26, s10, $0xb8;
	[tilespmem:$0xD400] =	vst v63  }
0x27: {  	s5 =	simm.s32 $0x1C0  }
0x28: {  	[tilespmem:s28], [sflag:$0x2] =	stream.indirect.gather [hbm4b:s3+s10], $0x20, s5, s10, $0xb8;
	[tilespmem:$0xD400] =	vst v63  }
0x29: {  	s6 =	simm.s32 $0x1F8  }
0x2a: {  	[tilespmem:s30], [sflag:$0x2] =	stream.indirect.gather [hbm4b:s3+s10], $0x20, s6, s10, $0xb8;
	[tilespmem:$0xD400] =	vst v63  }
0x2b: {  	s26 =	simm.s32 $0x230  }
0x2c: {  	[tilespmem:s1], [sflag:$0x2] =	stream.indirect.gather [hbm4b:s3+s10], $0x20, s26, s10, $0xb8;
	[tilespmem:$0xD400] =	vst v63  }
0x2d: {  	s5 =	simm.s32 $0x268  }
0x2e: {  	[tilespmem:s12], [sflag:$0x2] =	stream.indirect.gather [hbm4b:s3+s10], $0x20, s5, s10, $0xb8;
	[tilespmem:$0xD400] =	vst v63  }
0x2f: {  	s6 =	simm.s32 $0x2A0  }
0x30: {  	[tilespmem:s16], [sflag:$0x2] =	stream.indirect.gather [hbm4b:s3+s10], $0x20, s6, s10, $0xb8;
	[tilespmem:$0xD400] =	vst v63  }
0x31: {  	s26 =	simm.s32 $0x2D8  }
0x32: {  	[tilespmem:s20], [sflag:$0x2] =	stream.indirect.gather [hbm4b:s3+s10], $0x20, s26, s10, $0xb8;
	[tilespmem:$0xD400] =	vst v63  }
0x33: {  	s5 =	simm.s32 $0x310  }
0x34: {  	[tilespmem:s24], [sflag:$0x2] =	stream.indirect.gather [hbm4b:s3+s10], $0x20, s5, s10, $0xb8;
	[tilespmem:$0xD400] =	vst v63  }
0x35: {  	s6 =	simm.s32 $0x348  }
0x36: {  	[tilespmem:s29], [sflag:$0x2] =	stream.indirect.gather [hbm4b:s3+s10], $0x20, s6, s10, $0xb8;
	[tilespmem:$0xD400] =	vst v63  }
0x37: {  	_ =	swait.ge [sflag:s31], $0x3200  }
0x38: {  	[sflag:s31] =	ssyncset.done $0x0  }
0x39: {  	[sflag:s31] =	ssyncadd.s32 $0xFFFFCE00  }
0x3a: {  	[hbm4b:s8+s2] =	stream.linear.scatter [tilespmem:s11], [sflag:$0x3], $0x3200, $0x38;
	[tilespmem:$0xD400] =	vst v63  }
0x3b: {  	_ =	swait.ge [sflag:s0], $0x3200  }
0x3c: {  	[sflag:s0] =	ssyncset.done $0x0  }
0x3d: {  	s26 =	sadd.s32 $0x640, s8;
	[sflag:s0] =	ssyncadd.s32 $0xFFFFCE00  }
0x3e: {  	[hbm4b:s26+s2] =	stream.linear.scatter [tilespmem:s28], [sflag:$0x4], $0x3200, $0x38;
	[tilespmem:$0xD400] =	vst v63  }
0x3f: {  	_ =	swait.ge [sflag:s14], $0x3200  }
0x40: {  	[sflag:s14] =	ssyncset.done $0x0  }
0x41: {  	s5 =	simm.s32 $0x380;
	[sflag:s14] =	ssyncadd.s32 $0xFFFFCE00  }
0x42: {  	[tilespmem:s11], [sflag:$0x1] =	stream.indirect.gather [hbm4b:s3+s10], $0x20, s5, s10, $0xb8;
	[tilespmem:$0xD400] =	vst v63  }
0x43: {  	s6 =	simm.s32 $0x3B8  }
0x44: {  	[tilespmem:s13], [sflag:$0x1] =	stream.indirect.gather [hbm4b:s3+s10], $0x20, s6, s10, $0xb8;
	[tilespmem:$0xD400] =	vst v63  }
0x45: {  	s26 =	simm.s32 $0x3F0  }
0x46: {  	[tilespmem:s15], [sflag:$0x1] =	stream.indirect.gather [hbm4b:s3+s10], $0x20, s26, s10, $0xb8;
	[tilespmem:$0xD400] =	vst v63  }
0x47: {  	s5 =	simm.s32 $0x428  }
0x48: {  	[tilespmem:s17], [sflag:$0x1] =	stream.indirect.gather [hbm4b:s3+s10], $0x20, s5, s10, $0xb8;
	[tilespmem:$0xD400] =	vst v63  }
0x49: {  	s6 =	simm.s32 $0x460  }
0x4a: {  	[tilespmem:s19], [sflag:$0x1] =	stream.indirect.gather [hbm4b:s3+s10], $0x20, s6, s10, $0xb8;
	[tilespmem:$0xD400] =	vst v63  }
0x4b: {  	s26 =	simm.s32 $0x498  }
0x4c: {  	[tilespmem:s21], [sflag:$0x1] =	stream.indirect.gather [hbm4b:s3+s10], $0x20, s26, s10, $0xb8;
	[tilespmem:$0xD400] =	vst v63  }
0x4d: {  	s5 =	simm.s32 $0x4D0  }
0x4e: {  	[tilespmem:s23], [sflag:$0x1] =	stream.indirect.gather [hbm4b:s3+s10], $0x20, s5, s10, $0xb8;
	[tilespmem:$0xD400] =	vst v63  }
0x4f: {  	s6 =	simm.s32 $0x508  }
0x50: {  	[tilespmem:s25], [sflag:$0x1] =	stream.indirect.gather [hbm4b:s3+s10], $0x20, s6, s10, $0xb8;
	[tilespmem:$0xD400] =	vst v63  }
0x51: {  	_ =	swait.ge [sflag:s18], $0x3200  }
0x52: {  	[sflag:s18] =	ssyncset.done $0x0  }
0x53: {  	s26 =	simm.s32 $0x540;
	[sflag:s18] =	ssyncadd.s32 $0xFFFFCE00  }
0x54: {  	[tilespmem:s28], [sflag:$0x2] =	stream.indirect.gather [hbm4b:s3+s10], $0x20, s26, s10, $0xb8;
	[tilespmem:$0xD400] =	vst v63  }
0x55: {  	s5 =	simm.s32 $0x578  }
0x56: {  	[tilespmem:s30], [sflag:$0x2] =	stream.indirect.gather [hbm4b:s3+s10], $0x20, s5, s10, $0xb8;
	[tilespmem:$0xD400] =	vst v63  }
0x57: {  	s6 =	simm.s32 $0x5B0  }
0x58: {  	[tilespmem:s1], [sflag:$0x2] =	stream.indirect.gather [hbm4b:s3+s10], $0x20, s6, s10, $0xb8;
	[tilespmem:$0xD400] =	vst v63  }
0x59: {  	s26 =	simm.s32 $0x5E8  }
0x5a: {  	[tilespmem:s12], [sflag:$0x2] =	stream.indirect.gather [hbm4b:s3+s10], $0x20, s26, s10, $0xb8;
	[tilespmem:$0xD400] =	vst v63  }
0x5b: {  	s5 =	simm.s32 $0x620  }
0x5c: {  	[tilespmem:s16], [sflag:$0x2] =	stream.indirect.gather [hbm4b:s3+s10], $0x20, s5, s10, $0xb8;
	[tilespmem:$0xD400] =	vst v63  }
0x5d: {  	s6 =	simm.s32 $0x658  }
0x5e: {  	[tilespmem:s20], [sflag:$0x2] =	stream.indirect.gather [hbm4b:s3+s10], $0x20, s6, s10, $0xb8;
	[tilespmem:$0xD400] =	vst v63  }
0x5f: {  	s26 =	simm.s32 $0x690  }
0x60: {  	[tilespmem:s24], [sflag:$0x2] =	stream.indirect.gather [hbm4b:s3+s10], $0x20, s26, s10, $0xb8;
	[tilespmem:$0xD400] =	vst v63  }
0x61: {  	s4 =	sadd.s32 $0xC80, s8;
	s5 =	simm.s32 $0x6C8;
	s26 =	simm.s32 $0xE00  }
.LBB2_2:
0x62: {  	[tilespmem:s29], [sflag:$0x2] =	stream.indirect.gather [hbm4b:s3+s10], $0x20, s5, s10, $0xb8;
	[tilespmem:$0xD400] =	vst v63  }
0x63: {  	s5 =	smov.u32 s26  }
0x64: {  	p0 =	sne.s32 s26, $0x1A400;
	s26 =	sadd.s32 $0xE00, s26;
	_ =	swait.ge [sflag:s31], $0x3200  }
0x65: {  	[sflag:s31] =	ssyncset.done $0x0  }
0x66: {  	[sflag:s31] =	ssyncadd.s32 $0xFFFFCE00  }
0x67: {  	[hbm4b:s4+s2] =	stream.linear.scatter [tilespmem:s11], [sflag:$0x3], $0x3200, $0x38;
	[tilespmem:$0xD400] =	vst v63  }
0x68: {  	_ =	swait.ge [sflag:s0], $0x3200  }
0x69: {  	[sflag:s0] =	ssyncset.done $0x0  }
0x6a: {  	s6 =	sadd.s32 $0x640, s4;
	[sflag:s0] =	ssyncadd.s32 $0xFFFFCE00  }
0x6b: {  	[hbm4b:s6+s2] =	stream.linear.scatter [tilespmem:s28], [sflag:$0x4], $0x3200, $0x38;
	[tilespmem:$0xD400] =	vst v63  }
0x6c: {  	_ =	swait.ge [sflag:s14], $0x3200  }
0x6d: {  	s5 =	sshra.s32 s5, $0x2;
	[sflag:s14] =	ssyncset.done $0x0  }
0x6e: {  	s6 =	sadd.s32 $0x380, s5;
	[sflag:s14] =	ssyncadd.s32 $0xFFFFCE00  }
0x6f: {  	[tilespmem:s11], [sflag:$0x1] =	stream.indirect.gather [hbm4b:s3+s10], $0x20, s6, s10, $0xb8;
	[tilespmem:$0xD400] =	vst v63  }
0x70: {  	s6 =	sadd.s32 $0x3B8, s5  }
0x71: {  	[tilespmem:s13], [sflag:$0x1] =	stream.indirect.gather [hbm4b:s3+s10], $0x20, s6, s10, $0xb8;
	[tilespmem:$0xD400] =	vst v63  }
0x72: {  	s6 =	sadd.s32 $0x3F0, s5  }
0x73: {  	[tilespmem:s15], [sflag:$0x1] =	stream.indirect.gather [hbm4b:s3+s10], $0x20, s6, s10, $0xb8;
	[tilespmem:$0xD400] =	vst v63  }
0x74: {  	s6 =	sadd.s32 $0x428, s5  }
0x75: {  	[tilespmem:s17], [sflag:$0x1] =	stream.indirect.gather [hbm4b:s3+s10], $0x20, s6, s10, $0xb8;
	[tilespmem:$0xD400] =	vst v63  }
0x76: {  	s6 =	sadd.s32 $0x460, s5  }
0x77: {  	[tilespmem:s19], [sflag:$0x1] =	stream.indirect.gather [hbm4b:s3+s10], $0x20, s6, s10, $0xb8;
	[tilespmem:$0xD400] =	vst v63  }
0x78: {  	s6 =	sadd.s32 $0x498, s5  }
0x79: {  	[tilespmem:s21], [sflag:$0x1] =	stream.indirect.gather [hbm4b:s3+s10], $0x20, s6, s10, $0xb8;
	[tilespmem:$0xD400] =	vst v63  }
0x7a: {  	s6 =	sadd.s32 $0x4D0, s5  }
0x7b: {  	[tilespmem:s23], [sflag:$0x1] =	stream.indirect.gather [hbm4b:s3+s10], $0x20, s6, s10, $0xb8;
	[tilespmem:$0xD400] =	vst v63  }
0x7c: {  	s6 =	sadd.s32 $0x508, s5  }
0x7d: {  	[tilespmem:s25], [sflag:$0x1] =	stream.indirect.gather [hbm4b:s3+s10], $0x20, s6, s10, $0xb8;
	[tilespmem:$0xD400] =	vst v63  }
0x7e: {  	_ =	swait.ge [sflag:s18], $0x3200  }
0x7f: {  	[sflag:s18] =	ssyncset.done $0x0  }
0x80: {  	s6 =	sadd.s32 $0x540, s5;
	[sflag:s18] =	ssyncadd.s32 $0xFFFFCE00  }
0x81: {  	[tilespmem:s28], [sflag:$0x2] =	stream.indirect.gather [hbm4b:s3+s10], $0x20, s6, s10, $0xb8;
	[tilespmem:$0xD400] =	vst v63  }
0x82: {  	s6 =	sadd.s32 $0x578, s5  }
0x83: {  	[tilespmem:s30], [sflag:$0x2] =	stream.indirect.gather [hbm4b:s3+s10], $0x20, s6, s10, $0xb8;
	[tilespmem:$0xD400] =	vst v63  }
0x84: {  	s6 =	sadd.s32 $0x5B0, s5  }
0x85: {  	[tilespmem:s1], [sflag:$0x2] =	stream.indirect.gather [hbm4b:s3+s10], $0x20, s6, s10, $0xb8;
	[tilespmem:$0xD400] =	vst v63  }
0x86: {  	s6 =	sadd.s32 $0x5E8, s5  }
0x87: {  	[tilespmem:s12], [sflag:$0x2] =	stream.indirect.gather [hbm4b:s3+s10], $0x20, s6, s10, $0xb8;
	[tilespmem:$0xD400] =	vst v63  }
0x88: {  	s6 =	sadd.s32 $0x620, s5  }
0x89: {  	[tilespmem:s16], [sflag:$0x2] =	stream.indirect.gather [hbm4b:s3+s10], $0x20, s6, s10, $0xb8;
	[tilespmem:$0xD400] =	vst v63  }
.Ltmp0:
0x8a: {  	s6 =	sadd.s32 $0x658, s5;
	(pc) =	sbr.rel @p0 .LBB2_2-.Ltmp0, $4  }
0x8b: {  	[tilespmem:s20], [sflag:$0x2] =	stream.indirect.gather [hbm4b:s3+s10], $0x20, s6, s10, $0xb8;
	[tilespmem:$0xD400] =	vst v63  }
0x8c: {  	s6 =	sadd.s32 $0x690, s5  }
0x8d: {  	[tilespmem:s24], [sflag:$0x2] =	stream.indirect.gather [hbm4b:s3+s10], $0x20, s6, s10, $0xb8;
	[tilespmem:$0xD400] =	vst v63  }
0x8e: {  	s4 =	sadd.s32 $0xC80, s4;
	s5 =	sadd.s32 $0x6C8, s5  }
0x8f: {  	[tilespmem:s29], [sflag:$0x2] =	stream.indirect.gather [hbm4b:s3+s10], $0x20, s5, s10, $0xb8;
	[tilespmem:$0xD400] =	vst v63  }
0x90: {  	_ =	swait.ge [sflag:s31], $0x3200  }
0x91: {  	[sflag:s31] =	ssyncset.done $0x0  }
0x92: {  	s4 =	rddreg [dreg:$0x5];
	[sflag:s31] =	ssyncadd.s32 $0xFFFFCE00  }
0x93: {  	[hbm4b:s4+s2] =	stream.linear.scatter [tilespmem:s11], [sflag:$0x3], $0x3200, $0x38;
	[tilespmem:$0xD400] =	vst v63  }
0x94: {  	_ =	swait.ge [sflag:s0], $0x3200  }
0x95: {  	[sflag:s0] =	ssyncset.done $0x0  }
0x96: {  	[sflag:s0] =	ssyncadd.s32 $0xFFFFCE00  }
0x97: {  	[hbm4b:s7+s2] =	stream.linear.scatter [tilespmem:s28], [sflag:$0x4], $0x3200, $0x38;
	[tilespmem:$0xD400] =	vst v63  }
0x98: {  	_ =	swait.ge [sflag:s14], $0x3200  }
0x99: {  	[sflag:s14] =	ssyncset.done $0x0  }
0x9a: {  	[sflag:s14] =	ssyncadd.s32 $0xFFFFCE00  }
0x9b: {  	_ =	swait.ge [sflag:s18], $0x3200  }
0x9c: {  	s22 =	sadd.s32 $0x1, s22;
	s26 =	rddreg [dreg:$0x4]  }
0x9d: {  	p0 =	sne.s32 s22, s26  }
.Ltmp1:
0x9e: {  	_ = 	snop;
	(pc) =	sbr.rel @p0 .LBB2_1-.Ltmp1, $3  }
0x9f: {  	_ =	sdelay $0x1  }
0xa0: {  	[sflag:s18] =	ssyncset.done $0x0  }
0xa1: {  	[sflag:s18] =	ssyncadd.s32 $0xFFFFCE00  }
0xa2: {  	_ =	sfence.sel $0x180000  }
0xa3: {  	[bflag:$0x0] =	sbarrier.arrive $0xFFFF  }
0xa4: {  	_ =	strace $0x90000047  }
0xa5: {  	s0 =	stileid.u32;
	[bflag:$0x2] =	sbarrier.arrive $0xFFFF  }
0xa6: {  	p0 =	sne.s32 s0, $0x0;
	s0 =	rddreg [dreg:$0x2]  }
0xa7: {  	s0 =	sadd.s32 @!p0 $0x100000, s0  }
0xa8: {  	[sflag:s0] =	ssyncadd.tile.s32 @!p0 $0x1;
	_ =	shalt  }
.Lfunc_end2:
_tile_overlayer_lowered:
.L_overlay_start_2:
0xa9: {  	(tag) =	ssettag $0x2  }
0xaa: {  	s0 =	rddreg [dreg:$0x0];
	s2 =	stileid.u32  }
0xab: {  	s1 =	rddreg [dreg:$0x1];
	p0 =	sne.s32 s2, $0x0  }
0xac: {  	s3 =	rddreg [dreg:$0x2];
	[bflag:$0x3] =	sbarrier.arrive $0xFFFF;
	s2 =	simm.s32 @!p0 $0x1C05  }
0xad: {  	[timem:s3], [sflag:s2] =	dma.local @!p0 [hbm:s0], s1  }
0xae: {  	s0 =	simm.s32 @!p0 $0x5  }
0xaf: {  	_ =	swait.ge @!p0 [sflag:s0], s1  }
0xb0: {  	s1 =	ssub.s32 @!p0 $0x0, s1;
	[sflag:s0] =	ssyncset.done @!p0 $0x0  }
0xb1: {  	[sflag:s0] =	ssyncadd.s32 @!p0 s1  }
0xb2: {  	[bflag:$0x3] =	sbarrier.arrive $0xFFFF  }
0xb3: {  	_ =	shalt  }

// kernel: sparse-core-data-format-call.cloned.1.call-start
scs
called_computation_lowered:
.L_overlay_start_0:
0x0: {  	s2 =	sld [smem:$0x3FD9]  }
0x1: {  	s3 =	sld [smem:$0x3FFE];
	_ =	sdelay $0x1  }
0x2: {  	s1 =	srdreg.scid  }
0x3: {  	s0 =	sand.u32 $0x1, s1  }
0x4: {  	s18 =	sshll.u32 s0, $0xA;
	s2 =	sadd.s32 s3, s2  }
0x5: {  	s2 =	sadd.s32 s2, s18  }
0x6: {  	[smem:$0x3FC6] =	sst s2  }
0x7: {  	_ = 	snop  }
0x8: {  	s2 =	sld [smem:$0x3FD0];
	(tm) =	ssettm $0x1  }
0x9: {  	s19 =	sld [smem:$0x3FFB];
	_ =	sdelay $0x3  }
0xa: {  	_ =	strace s19  }
0xb: {  	s3 =	sld [smem:$0x3FFC];
	_ =	sdelay $0x3  }
0xc: {  	_ =	strace s3  }
0xd: {  	s3 =	sld [smem:$0x3FFD];
	_ =	sdelay $0x3  }
0xe: {  	_ =	strace s3  }
0xf: {  	_ =	strace $0x8FFFFFFF  }
0x10: {  	s20 =	sld [smem:$0x3FDB];
	_ =	sdelay $0x1  }
0x11: {  	s4 =	simm.s32 $_scs_section_size  }
0x12: {  	s5 =	simm.s32 $_size__tile_overlayer_lowered;
	s6 =	simm.s32 $_tile_overlayer_lowered  }
0x13: {  	s23 =	simm.s32 $0x1BFF;
	s22 =	sshll.u32 s6, $0x1;
	s3 =	sadd.s32 s4, s20  }
0x14: {  	s7 =	simm.s32 $0x0;
	s21 =	sshll.u32 s5, $0x1;
	s5 =	sadd.s32 s22, s3  }
0x15: {  	[timem:s7], [sflag:s23] =	dma.local [hbm:s5], s21  }
0x16: {  	_ =	swait.ge [sflag:s23], s21  }
0x17: {  	s4 =	ssub.s32 $0x0, s21;
	[sflag:s23] =	ssyncset.done $0x0  }
0x18: {  	[sflag:s23] =	ssyncadd.s32 s4;
	_ =	sdelay $0x1  }
0x19: {  	s24 =	simm.s32 $0x1B8B  }
0x1a: {  	_ =	swait.ge [sflag:s24], $0x1  }
0x1b: {  	[sflag:s24] =	ssyncset.done $0x0  }
0x1c: {  	s26 =	simm.s32 $0x1B8E;
	s25 =	sld [smem:$0x3FFE];
	[sflag:s24] =	ssyncadd.s32 $0xFFFFFFFF  }
0x1d: {  	s27 =	simm.s32 $execute0_lowered;
	[smem:$0x3FD2] =	sst s26  }
0x1e: {  	s5 =	sshll.u32 s27, $0x1;
	_ =	strace $0x80000049;
	[dreg:$0x1] =	wrdreg $0xFFFFFFFF  }
0x1f: {  	s28 =	simm.s32 $_size_execute0_lowered;
	s3 =	sadd.s32 s3, s5;
	[dreg:$0x0] =	wrdreg $0x0  }
0x20: {  	s5 =	sshll.u32 s28, $0x1;
	[dreg:$0x2] =	wrdreg s3  }
0x21: {  	[dreg:$0x3] =	wrdreg s5  }
0x22: {  	[dreg:$0x4] =	wrdreg $0xC0  }
0x23: {  	_ =	task [dreg:s7], $0x5FFFF  }
0x24: {  	[dreg:$0x1] =	wrdreg $0xFFFFFFFF  }
0x25: {  	[dreg:$0x0] =	wrdreg $0x60  }
0x26: {  	[dreg:$0x2] =	wrdreg s25  }
0x27: {  	[dreg:$0x3] =	wrdreg s2  }
0x28: {  	[dreg:$0x4] =	wrdreg $0x9  }
0x29: {  	_ =	task.clear_ibuf [dreg:s7], $0x5FFFF;
	_ =	strace $0x90000049  }
0x2a: {  	s29 =	simm.s32 $0x9;
	_ =	strace $0x8000004B  }
0x2b: {  	_ =	swait.ge [sflag:s29], $0x1  }
0x2c: {  	[sflag:s29] =	ssyncadd.s32 $0xFFFFFFFF  }
0x2d: {  	_ =	strace $0x9000004B  }
0x2e: {  	_ =	sfence  }
0x2f: {  	s30 =	sld [smem:$0x0];
	_ =	sdelay $0x2  }
0x30: {  	s31 =	sshll.u32 s1, $0xD;
	s1 =	sshrl.u32 s1, $0x2  }
0x31: {  	s3 =	sand.u32 $0x4000, s31;
	s1 =	sadd.s32 s1, s30  }
0x32: {  	s0 =	sor.u32 s3, s0;
	s1 =	sshll.u32 s1, $0x11  }
0x33: {  	s0 =	sor.u32 s1, s0  }
0x34: {  	s0 =	sadd.s32 $0x8F2B, s0  }
0x35: {  	[sflag:s0] =	ssyncadd.remote.s32 $0x1  }
0x36: {  	_ =	sfence.sel $0xFFFF  }
0x37: {  	[dreg:$0x0] =	wrdreg $0xFFFFFFFF;
	(pc) =	sbr.abs _section_cstart, $3  }
0x38: {  	[dreg:$0x1] =	wrdreg $0xFFFFFFFF  }
0x39: {  	_ =	task.clear_ibuf [dreg:s7], $0x2FFFF;
	_ =	strace $0x9FFFFFFF  }
0x3a: {  	(tm) =	ssettm $0x7FFFFFFF  }
0x3b: {  	_ =	shalt  }
tec
execute0_lowered:
.L_overlay_start_1:
0x0: {  	(tag) =	ssettag $0x1  }
0x1: {  	s0 =	srdreg.scid  }
0x2: {  	s1 =	sshll.u32 s0, $0x4  }
0x3: {  	s0 =	stileid.u32;
	s1 =	sand.u32 $0x10, s1  }
0x4: {  	s1 =	sor.u32 s0, s1  }
0x5: {  	s6 =	rddreg [dreg:$0x0];
	s4 =	simm.s32 $0x1;
	s2 =	sshll.u32 s1, $0x7  }
0x6: {  	s7 =	simm.s32 $0x2;
	s12 =	simm.s32 $0x0;
	s1 =	ssub.s32 $0x4000, s2  }
0x7: {  	s8 =	simm.s32 $0x20000;
	s13 =	simm.s32 $0x0;
	s3 =	sand.u32 $0xF80, s1  }
0x8: {  	s9 =	simm.s32 $0x0;
	s5 =	sshrl.u32 s1, $0xC;
	p0 =	sne.s32 s3, $0x0  }
.Ltmp0:
0x9: {  	s1 =	rddreg [dreg:$0x2];
	s4 =	simm.s32 @!p0 $0x0;
	(pc) =	sbr.rel .LBB1_1-.Ltmp0, $4  }
0xa: {  	s11 =	simm.s32 $0x0;
	s3 =	rddreg [dreg:$0x1];
	s5 =	sadd.s32 s4, s5  }
0xb: {  	_ =	strace $0x8000004A;
	s4 =	simm.s32 $0x1;
	s5 =	smul.u32 $0x32, s5  }
0xc: {  	s6 =	sadd.s32 $0xA00, s6;
	s10 =	smov.u32 s2;
	[sflag:s4] =	ssyncpa.u1 $0x0  }
0xd: {  	p0 =	por $0x0, $0x0;
	[sflag:s7] =	ssyncpa.u1 $0x0;
	s7 =	sor.u32 $0x1, s5  }
.LBB1_4:
0xe: {  	s16 =	sshll.u32 s13, $0x3;
	s17 =	sand.u32 $0x78, s13  }
0xf: {  	s30 =	sand.u32 $0xF800, s13;
	s12 =	sshll.u32 s12, $0x10;
	s16 =	sand.u32 $0x3C00, s16  }
0x10: {  	s31 =	sand.u32 $0x7, s13;
	s16 =	sor.u32 s17, s16;
	s17 =	sadd.s32 s3, s30  }
0x11: {  	s13 =	sshll.u32 s31, $0x12;
	s16 =	sshrl.u32 s16, $0x3;
	s12 =	sadd.s32 s12, s17  }
0x12: {  	[tilespmem:s15+$0x0 ss:$0x81] =	vst.msk $0xffff, v0;
	s13 =	sor.u32 $0x400, s13;
	s12 =	sadd.s32 s16, s12  }
0x13: {  	[hbm4b:s12+s13] =	stream.strided.scatter [tilespmem:s14], [sflag:$0x2], $0x1000, s8, s13, $0x20;
	[tilespmem:$0x4040] =	vst v63  }
.LBB1_5:
0x14: {  	s14 =	sadd.s32 $0x1, s9  }
0x15: {  	s12 =	sadd.s32 $0x1000, s10;
	s16 =	smov.u32 s10;
	p2 =	sgt.s32 s14, $0x31  }
0x16: {  	s16 =	smov.u32 @p2 s12  }
0x17: {  	s14 =	simm.s32 @p2 $0x0;
	p2 =	sgt.s32 s16, $0x3FFF  }
0x18: {  	s16 =	smov.u32 @p2 s2;
	p2 =	sne.s32 s11, s7  }
.Ltmp1:
0x19: {  	p1 =	slt.u32 s11, $0x2;
	(pc) =	sbr.rel @!p2 .LBB1_6-.Ltmp1, $4  }
0x1a: {  	s15 =	simm.s32 @!p1 $0x2  }
0x1b: {  	s13 =	smov.u32 s10;
	p0 =	por !p0, !p0;
	_ =	swait.ge @!p1 [sflag:s15], $0x1000  }
0x1c: {  	s12 =	smov.u32 s9;
	[sflag:s15] =	ssyncset.done @!p1 $0x0;
	s9 =	smov.u32 s14  }
0x1d: {  	s11 =	sadd.s32 $0x1, s11;
	[sflag:s15] =	ssyncadd.s32 @!p1 $0xFFFFF000;
	s10 =	smov.u32 s16  }
.LBB1_1:
0x1e: {  	p1 =	sge.u32 s11, s5  }
0x1f: {  	s14 =	sand.u32 @!p1 $0x1FFFFFF, s9  }
0x20: {  	s15 =	smulhi.u32 @!p1 $0x4924925, s14;
	_ =	sdelay $0x1  }
0x21: {  	s15 =	smul.u32 @!p1 $0x38, s15  }
0x22: {  	s16 =	sxor.u32 @!p1 $0xFFFFFFFF, s11;
	s17 =	smul.u32 @!p1 $0x380, s10  }
0x23: {  	s31 =	sadd.s32 $0xFFFFFFFF, s11;
	s16 =	sshll.u32 @!p1 s16, $0xC;
	s14 =	ssub.s32 @!p1 s14, s15  }
0x24: {  	s15 =	sand.u32 @!p1 $0x1000, s16;
	s16 =	sadd.s32 @!p1 s6, s17;
	s14 =	sshll.u32 @!p1 s14, $0x4  }
0x25: {  	s17 =	simm.s32 @!p1 $0x1C00;
	s14 =	sadd.s32 @!p1 s14, s16;
	s16 =	simm.s32 @!p1 $0x20  }
0x26: {  	[tilespmem:s15], [sflag:$0x1] =	stream.strided.gather @!p1 [hbm4b:s14+s16], $0x1000, s17, s16, $0x38;
	[tilespmem:$0x4040] =	vst v63  }
0x27: {  	p1 =	sge.u32 s31, s5  }
.Ltmp2:
0x28: {  	_ = 	snop;
	(pc) =	sbr.rel @p1 .LBB1_5-.Ltmp2, $1  }
0x29: {  	_ =	sdelay $0x3  }
0x2a: {  	s14 =	simm.s32 $0x1  }
0x2b: {  	_ =	swait.ge [sflag:s4], $0x1000;
	s14 =	simm.s32 @!p0 $0x0  }
0x2c: {  	[sflag:s4] =	ssyncset.done $0x0;
	s15 =	sshll.u32 s14, $0xC  }
0x2d: {  	[sflag:s4] =	ssyncadd.s32 $0xFFFFF000;
	s18 =	sor.u32 $0x10, s15  }
0x2e: {  	s14 =	smul.u32 $0x4080, s14;
	v1 =	vld [tilespmem:s18+$0x0]  }
0x2f: {  	s30 =	sand.u32 $0x1, s11;
	v0 =	vld [tilespmem:s18+$0xFFFFFFF0]  }
0x30: {  	s15 =	smul.u32 $0x4080, s30;
	s14 =	sshrl.u32 s14, $0x2  }
0x31: {  	s16 =	sor.u32 $0x2000, s14  }
0x32: {  	s31 =	sshrl.u32 s15, $0x2;
	s15 =	sadd.s32 $0x0, s16  }
0x33: {  	s17 =	simm.s32 $0x4;
	s18 =	sadd.s32 $0x20, s18;
	s14 =	sor.u32 $0x2000, s31;
	[tilespmem:s15+$0x810 ss:$0x81] =	vst.msk $0xffff, v1  }
.LBB1_3:
0x34: {  	v1 =	vld [tilespmem:s18+$0x0];
	p1 =	sne.s32 s17, $0x1FC;
	[tilespmem:s15+$0x0 ss:$0x81] =	vst.msk $0xffff, v0;
	s15 =	smov.u32 s17;
	s17 =	sadd.s32 $0x4, s17  }
.Ltmp3:
0x35: {  	v0 =	vld [tilespmem:s18+$0xFFFFFFF0];
	(pc) =	sbr.rel @p1 .LBB1_3-.Ltmp3, $4  }
0x36: {  	_ = 	snop  }
0x37: {  	s15 =	sshra.s32 s15, $0x2  }
0x38: {  	s15 =	sadd.s32 s15, s16  }
0x39: {  	s18 =	sadd.s32 $0x20, s18;
	[tilespmem:s15+$0x810 ss:$0x81] =	vst.msk $0xffff, v1  }
.Ltmp4:
0x3a: {  	_ = 	snop;
	(pc) =	sbr.rel .LBB1_4-.Ltmp4, $1  }
0x3b: {  	_ =	sdelay $0x3  }
.LBB1_6:
0x3c: {  	_ =	sfence.sel $0x180000  }
0x3d: {  	s2 =	simm.s32 $0x1;
	[bflag:$0x0] =	sbarrier.arrive $0xFFFF  }
0x3e: {  	s31 =	simm.s32 $0x2;
	[sflag:s2] =	ssyncpa.u1 $0x1  }
0x3f: {  	[sflag:s31] =	ssyncpa.u1 $0x1  }
0x40: {  	p0 =	sne.s32 s0, $0x0;
	_ =	strace $0x9000004A  }
0x41: {  	s0 =	sadd.s32 @!p0 $0x100000, s1;
	[bflag:$0x2] =	sbarrier.arrive $0xFFFF  }
0x42: {  	[sflag:s0] =	ssyncadd.tile.s32 @!p0 $0x1;
	_ =	shalt  }
.Lfunc_end1:
_tile_overlayer_lowered:
.L_overlay_start_2:
0x43: {  	(tag) =	ssettag $0x2  }
0x44: {  	s0 =	rddreg [dreg:$0x0];
	s2 =	stileid.u32  }
0x45: {  	s1 =	rddreg [dreg:$0x1];
	p0 =	sne.s32 s2, $0x0  }
0x46: {  	s3 =	rddreg [dreg:$0x2];
	[bflag:$0x3] =	sbarrier.arrive $0xFFFF;
	s2 =	simm.s32 @!p0 $0x1C01  }
0x47: {  	[timem:s3], [sflag:s2] =	dma.local @!p0 [hbm:s0], s1  }
0x48: {  	s0 =	simm.s32 @!p0 $0x1  }
0x49: {  	_ =	swait.ge @!p0 [sflag:s0], s1  }
0x4a: {  	s1 =	ssub.s32 @!p0 $0x0, s1;
	[sflag:s0] =	ssyncset.done @!p0 $0x0  }
0x4b: {  	[sflag:s0] =	ssyncadd.s32 @!p0 s1  }
0x4c: {  	[bflag:$0x3] =	sbarrier.arrive $0xFFFF  }
0x4d: {  	_ =	shalt  }

</sc_bundles>
